<compile_context>
chip_gen: v7x
topology: tpu7x:2x2x1
jax: 0.10.2.dev20260603
libtpu: 0.0.44.dev20260713+nightly
codegen_flags: <defaults>
</compile_context>

<pallas_src>
import functools

import jax
import jax.numpy as jnp
from jax import lax
from jax.experimental import pallas as pl
from jax.experimental.pallas import tpu as pltpu
from jax.experimental.pallas import tpu_sc as plsc

EPS = 1e-06
N_BINS = 256
_B, _T, _F = 256, 20, 32
_L = 16
_NC, _NS = 2, 16
_NW = _NC * _NS
_N_ROWS = _B * _T * _F
_RPW = _N_ROWS // _NW
_BPW = _RPW // (_T * _F)
_R = 128
_TG = _R // _F
_G = _RPW // _R
_GPB = (_T * _F) // _R


def _sc_body(x_hbm, out_hbm, xin_v, buf_v, pidx_v, sem_in, sem0, sem1):
    c = lax.axis_index("c")
    s = lax.axis_index("s")
    wid = s * _NC + c
    base = wid * _RPW
    pltpu.async_copy(x_hbm.at[pl.ds(base, _RPW)], xin_v, sem_in)

    iota = lax.iota(jnp.int32, _L)
    ones = jnp.full((_L,), 1.0, jnp.float32)
    zeros = jnp.zeros((_L,), jnp.float32)
    sems = (sem0, sem1)

    def zero_slot(b):
        def zrow(i, carry):
            t = b * _TG + i // _F
            f = i % _F
            for ch in range(N_BINS // _L):
                buf_v[t, f, pl.ds(ch * _L, _L)] = zeros
            return carry

        lax.fori_loop(0, _TG * _F, zrow, 0)

    def scrub_slot(b):
        def scrub(j, inner):
            r = j * _L + iota
            cols = pidx_v[pl.ds(b * _R + j * _L, _L)]
            plsc.store_scatter(
                buf_v, [b * _TG + (r >> 5), r & (_F - 1), cols], zeros)
            return inner

        lax.fori_loop(0, _R // _L, scrub, 0)

    def set_and_send(g, b):
        def setone(j, inner):
            xv = xin_v[pl.ds(g * _R + j * _L, _L)]
            xc = jnp.clip(xv, EPS, 1.0 - EPS)
            idx = jnp.clip((xc * N_BINS).astype(jnp.int32), 0, N_BINS - 1)
            pidx_v[pl.ds(b * _R + j * _L, _L)] = idx
            r = j * _L + iota
            plsc.store_scatter(
                buf_v, [b * _TG + (r >> 5), r & (_F - 1), idx], ones)
            return inner

        lax.fori_loop(0, _R // _L, setone, 0)
        bb = wid * _BPW + g // _GPB
        t0 = (g % _GPB) * _TG
        pltpu.async_copy(
            buf_v.at[pl.ds(b * _TG, _TG)],
            out_hbm.at[bb, pl.ds(t0, _TG)],
            sems[b],
        )

    def wait_slot(b):
        pltpu.make_async_copy(
            buf_v.at[pl.ds(b * _TG, _TG)],
            out_hbm.at[0, pl.ds(0, _TG)],
            sems[b],
        ).wait()

    zero_slot(0)
    pltpu.make_async_copy(x_hbm.at[pl.ds(0, _RPW)], xin_v, sem_in).wait()
    set_and_send(0, 0)
    zero_slot(1)
    set_and_send(1, 1)

    def outer(go, carry):
        for b in range(2):
            g = go * 2 + b
            wait_slot(b)
            scrub_slot(b)
            set_and_send(g, b)
        return carry

    lax.fori_loop(1, _G // 2, outer, 0)

    for b in range(2):
        wait_slot(b)


_sc_onehot = functools.partial(
    pl.kernel,
    out_type=jax.ShapeDtypeStruct((_B, _T, _F, N_BINS), jnp.float32),
    mesh=plsc.VectorSubcoreMesh(
        core_axis_name="c", subcore_axis_name="s",
        num_cores=_NC, num_subcores=_NS,
    ),
    scratch_types=[
        pltpu.VMEM((_RPW,), jnp.float32),
        pltpu.VMEM((2 * _TG, _F, N_BINS), jnp.float32),
        pltpu.VMEM((2 * _R,), jnp.int32),
        pltpu.SemaphoreType.DMA,
        pltpu.SemaphoreType.DMA,
        pltpu.SemaphoreType.DMA,
    ],
    compiler_params=pltpu.CompilerParams(
        use_tc_tiling_on_sc=True, needs_layout_passes=False),
)(_sc_body)


def kernel(proprio):
    b, t, f = proprio.shape
    x = proprio.reshape(-1)
    tokens = _sc_onehot(x)
    mask = jnp.ones((b, t, f), dtype=bool)
    return tokens, mask

# --- scband reference (transcript-rebuilt; emitter-appended) ---
"""Pipeline reference for scband-lowdim-obs-tokenizer-47966194762183 (READ-ONLY COPY).

The authoritative reference and input builder live on the scoring server;
editing this copy changes nothing except your own understanding.
"""

import re
import jax, jax.numpy as jnp
import numpy as np

EPS = 1e-06
N_BINS = 256
LOW = 0.0
HIGH = 1.0
OBS_KEYS = ["proprio"]


def setup_inputs(seed: int = 0) -> dict:
    key = jax.random.key(seed)
    proprio = jax.random.uniform(key, (256, 20, 32), dtype=jnp.float32)
    return {"proprio": proprio}


def reference(proprio):
    # Reconstruct the observations dict the flax module consumes.
    observations = {"proprio": proprio}
    # Gather matching observation streams (regex filter over sorted keys).
    tokenizer_inputs = []
    for o_key in OBS_KEYS:
        for k in filter(re.compile(o_key).match, sorted(observations.keys())):
            assert observations[k].ndim == 3
            tokenizer_inputs.append(observations[k])
    x = jnp.concatenate(tokenizer_inputs, axis=-1)
    # dropout_rate = 0.0 / eval mode -> obs_dropout is identity.
    # discretize=True path: BinTokenizer.__call__ with uniform bins.
    thresholds = jnp.linspace(LOW, HIGH, N_BINS + 1)
    x = jnp.clip(x, LOW + EPS, HIGH - EPS)
    xe = x[..., None]
    token_one_hot = (xe < thresholds[1:]) & (xe >= thresholds[:-1]).astype(jnp.uint8)
    tokenized = jnp.argmax(token_one_hot, axis=-1)
    tokens = jax.nn.one_hot(tokenized, N_BINS)
    # p_token_drop = 0 / train=False -> mask is all ones.
    mask = jnp.ones(tokens.shape[:-1], dtype=bool)
    return tokens, mask

if __name__ == "__main__":
    import jax
    _d = setup_inputs()
    print(jax.jit(kernel)(*tuple(_d.values())))

</pallas_src>

<mosaic_0001>
#map = affine_map<(d0, d1) -> (0)>
#map1 = affine_map<(d0, d1) -> (0, 0, 0, 0)>
module attributes {stable_mosaic.version = 14 : i64} {
  func.func @_sc_body(%arg0: i32, %arg1: i32, %arg2: memref<163840xf32, #tpu.memory_space<hbm>>, %arg3: memref<256x20x32x256xf32, #tpu.memory_space<hbm>>, %arg4: memref<5120xf32, #tpu.memory_space<vmem>>, %arg5: memref<8x32x256xf32, #tpu.memory_space<vmem>>, %arg6: memref<256xi32, #tpu.memory_space<vmem>>, %arg7: memref<!tpu.dma_semaphore, #tpu.memory_space<semaphore_mem>>, %arg8: memref<!tpu.dma_semaphore, #tpu.memory_space<semaphore_mem>>, %arg9: memref<!tpu.dma_semaphore, #tpu.memory_space<semaphore_mem>>) attributes {dimension_semantics = [#tpu.dimension_semantics<core_parallel>, #tpu.dimension_semantics<subcore_parallel>], iteration_bounds = array<i64: 2, 16>, scalar_prefetch = 0 : i64, scratch_operands = 6 : i64, tpu.core_type = #tpu.core_type<sc_vector_subcore>, window_params = [{transform_indices = #map}, {transform_indices = #map1}]} {
    %mul3A = arith.constant 2 : i32
    %mul3A_0 = arith.muli %arg1, %mul3A : i32
    %add3A = arith.addi %mul3A_0, %arg0 : i32
    %mul3A_1 = arith.constant 5120 : i32
    %mul3A_2 = arith.muli %add3A, %mul3A_1 : i32
    %dma_start3A = tpu.memref_slice %arg2[%mul3A_2] : memref<163840xf32, #tpu.memory_space<hbm>> -> memref<5120xf32, #tpu.memory_space<hbm>>
    %dma_start3A_3 = tpu.memref_slice %arg2[%mul3A_2] : memref<163840xf32, #tpu.memory_space<hbm>> -> memref<5120xf32, #tpu.memory_space<hbm>>
    tpu.enqueue_dma source(%dma_start3A_3 : memref<5120xf32, #tpu.memory_space<hbm>>) target(%arg4 : memref<5120xf32, #tpu.memory_space<vmem>>) target_semaphore(%arg7 : memref<!tpu.dma_semaphore, #tpu.memory_space<semaphore_mem>>)
    %iota3A = tpu.iota {dimensions = array<i32: 0>} : vector<16xi32>
    %broadcast_in_dim3A = arith.constant 1.000000e+00 : f32
    %broadcast_in_dim3A_4 = vector.broadcast %broadcast_in_dim3A : f32 to vector<16xf32>
    %broadcast_in_dim3A_5 = arith.constant 0.000000e+00 : f32
    %broadcast_in_dim3A_6 = vector.broadcast %broadcast_in_dim3A_5 : f32 to vector<16xf32>
    %scan3A = arith.constant 0 : i32
    %scan3A_7 = arith.constant 0 : i32
    %scan3A_8 = arith.constant 128 : i32
    %scan3A_9 = arith.addi %scan3A_7, %scan3A_8 : i32
    %scan3A_10 = arith.constant 1 : i32
    scf.for %scan3A_121 = %scan3A_7 to %scan3A_9 step %scan3A_10  : i32 {
      %jit3A = arith.constant 32 : i32
      %div3A = arith.divsi %scan3A_121, %jit3A : i32
      %sign3A = arith.constant 0 : i32
      %sign3A_122 = arith.cmpi sgt, %scan3A_121, %sign3A : i32
      %sign3A_123 = arith.extui %sign3A_122 : i1 to i32
      %sign3A_124 = arith.constant 0 : i32
      %sign3A_125 = arith.cmpi slt, %scan3A_121, %sign3A_124 : i32
      %sign3A_126 = arith.extui %sign3A_125 : i1 to i32
      %sign3A_127 = arith.subi %sign3A_123, %sign3A_126 : i32
      %sign3A_128 = arith.constant 0 : i32
      %sign3A_129 = arith.cmpi sgt, %jit3A, %sign3A_128 : i32
      %sign3A_130 = arith.extui %sign3A_129 : i1 to i32
      %sign3A_131 = arith.constant 0 : i32
      %sign3A_132 = arith.cmpi slt, %jit3A, %sign3A_131 : i32
      %sign3A_133 = arith.extui %sign3A_132 : i1 to i32
      %sign3A_134 = arith.subi %sign3A_130, %sign3A_133 : i32
      %ne3A = arith.cmpi ne, %sign3A_127, %sign3A_134 : i32
      %rem3A = arith.remsi %scan3A_121, %jit3A : i32
      %ne3A_135 = arith.constant 0 : i32
      %ne3A_136 = arith.cmpi ne, %rem3A, %ne3A_135 : i32
      %and3A = arith.andi %ne3A, %ne3A_136 : i1
      %sub3A = arith.constant 1 : i32
      %sub3A_137 = arith.subi %div3A, %sub3A : i32
      %select_n3A = arith.select %and3A, %sub3A_137, %div3A : i32
      %add3A_138 = arith.constant 0 : i32
      %add3A_139 = arith.addi %add3A_138, %select_n3A : i32
      %jit3A_140 = arith.constant 32 : i32
      %eq3A = arith.constant 0 : i32
      %eq3A_141 = arith.cmpi eq, %jit3A_140, %eq3A : i32
      %jit3A_142 = arith.constant 1 : i32
      %select_n3A_143 = arith.select %eq3A_141, %jit3A_142, %jit3A_140 : i32
      %rem3A_144 = arith.remsi %scan3A_121, %select_n3A_143 : i32
      %ne3A_145 = arith.constant 0 : i32
      %ne3A_146 = arith.cmpi ne, %rem3A_144, %ne3A_145 : i32
      %lt3A = arith.constant 0 : i32
      %lt3A_147 = arith.cmpi slt, %rem3A_144, %lt3A : i32
      %lt3A_148 = arith.constant 0 : i32
      %lt3A_149 = arith.cmpi slt, %select_n3A_143, %lt3A_148 : i32
      %ne3A_150 = arith.xori %lt3A_147, %lt3A_149 : i1
      %and3A_151 = arith.andi %ne3A_150, %ne3A_146 : i1
      %add3A_152 = arith.addi %rem3A_144, %select_n3A_143 : i32
      %select_n3A_153 = arith.select %and3A_151, %add3A_152, %rem3A_144 : i32
      %swap3A = arith.index_cast %add3A_139 : i32 to index
      %swap3A_154 = arith.index_cast %select_n3A_153 : i32 to index
      %swap3A_155 = arith.constant 0 : index
      %swap3A_156 = tpu.vector_load %arg5[%swap3A, %swap3A_154, %swap3A_155] {strides = array<i32>} : memref<8x32x256xf32, #tpu.memory_space<vmem>>, vector<16xf32>,
      tpu.vector_store %arg5[%swap3A, %swap3A_154, %swap3A_155], %broadcast_in_dim3A_6 {strides = array<i32>} : memref<8x32x256xf32, #tpu.memory_space<vmem>>, vector<16xf32>,
      %swap3A_157 = arith.index_cast %add3A_139 : i32 to index
      %swap3A_158 = arith.index_cast %select_n3A_153 : i32 to index
      %swap3A_159 = arith.constant 16 : index
      %swap3A_160 = tpu.vector_load %arg5[%swap3A_157, %swap3A_158, %swap3A_159] {strides = array<i32>} : memref<8x32x256xf32, #tpu.memory_space<vmem>>, vector<16xf32>,
      tpu.vector_store %arg5[%swap3A_157, %swap3A_158, %swap3A_159], %broadcast_in_dim3A_6 {strides = array<i32>} : memref<8x32x256xf32, #tpu.memory_space<vmem>>, vector<16xf32>,
      %swap3A_161 = arith.index_cast %add3A_139 : i32 to index
      %swap3A_162 = arith.index_cast %select_n3A_153 : i32 to index
      %swap3A_163 = arith.constant 32 : index
      %swap3A_164 = tpu.vector_load %arg5[%swap3A_161, %swap3A_162, %swap3A_163] {strides = array<i32>} : memref<8x32x256xf32, #tpu.memory_space<vmem>>, vector<16xf32>,
      tpu.vector_store %arg5[%swap3A_161, %swap3A_162, %swap3A_163], %broadcast_in_dim3A_6 {strides = array<i32>} : memref<8x32x256xf32, #tpu.memory_space<vmem>>, vector<16xf32>,
      %swap3A_165 = arith.index_cast %add3A_139 : i32 to index
      %swap3A_166 = arith.index_cast %select_n3A_153 : i32 to index
      %swap3A_167 = arith.constant 48 : index
      %swap3A_168 = tpu.vector_load %arg5[%swap3A_165, %swap3A_166, %swap3A_167] {strides = array<i32>} : memref<8x32x256xf32, #tpu.memory_space<vmem>>, vector<16xf32>,
      tpu.vector_store %arg5[%swap3A_165, %swap3A_166, %swap3A_167], %broadcast_in_dim3A_6 {strides = array<i32>} : memref<8x32x256xf32, #tpu.memory_space<vmem>>, vector<16xf32>,
      %swap3A_169 = arith.index_cast %add3A_139 : i32 to index
      %swap3A_170 = arith.index_cast %select_n3A_153 : i32 to index
      %swap3A_171 = arith.constant 64 : index
      %swap3A_172 = tpu.vector_load %arg5[%swap3A_169, %swap3A_170, %swap3A_171] {strides = array<i32>} : memref<8x32x256xf32, #tpu.memory_space<vmem>>, vector<16xf32>,
      tpu.vector_store %arg5[%swap3A_169, %swap3A_170, %swap3A_171], %broadcast_in_dim3A_6 {strides = array<i32>} : memref<8x32x256xf32, #tpu.memory_space<vmem>>, vector<16xf32>,
      %swap3A_173 = arith.index_cast %add3A_139 : i32 to index
      %swap3A_174 = arith.index_cast %select_n3A_153 : i32 to index
      %swap3A_175 = arith.constant 80 : index
      %swap3A_176 = tpu.vector_load %arg5[%swap3A_173, %swap3A_174, %swap3A_175] {strides = array<i32>} : memref<8x32x256xf32, #tpu.memory_space<vmem>>, vector<16xf32>,
      tpu.vector_store %arg5[%swap3A_173, %swap3A_174, %swap3A_175], %broadcast_in_dim3A_6 {strides = array<i32>} : memref<8x32x256xf32, #tpu.memory_space<vmem>>, vector<16xf32>,
      %swap3A_177 = arith.index_cast %add3A_139 : i32 to index
      %swap3A_178 = arith.index_cast %select_n3A_153 : i32 to index
      %swap3A_179 = arith.constant 96 : index
      %swap3A_180 = tpu.vector_load %arg5[%swap3A_177, %swap3A_178, %swap3A_179] {strides = array<i32>} : memref<8x32x256xf32, #tpu.memory_space<vmem>>, vector<16xf32>,
      tpu.vector_store %arg5[%swap3A_177, %swap3A_178, %swap3A_179], %broadcast_in_dim3A_6 {strides = array<i32>} : memref<8x32x256xf32, #tpu.memory_space<vmem>>, vector<16xf32>,
      %swap3A_181 = arith.index_cast %add3A_139 : i32 to index
      %swap3A_182 = arith.index_cast %select_n3A_153 : i32 to index
      %swap3A_183 = arith.constant 112 : index
      %swap3A_184 = tpu.vector_load %arg5[%swap3A_181, %swap3A_182, %swap3A_183] {strides = array<i32>} : memref<8x32x256xf32, #tpu.memory_space<vmem>>, vector<16xf32>,
      tpu.vector_store %arg5[%swap3A_181, %swap3A_182, %swap3A_183], %broadcast_in_dim3A_6 {strides = array<i32>} : memref<8x32x256xf32, #tpu.memory_space<vmem>>, vector<16xf32>,
      %swap3A_185 = arith.index_cast %add3A_139 : i32 to index
      %swap3A_186 = arith.index_cast %select_n3A_153 : i32 to index
      %swap3A_187 = arith.constant 128 : index
      %swap3A_188 = tpu.vector_load %arg5[%swap3A_185, %swap3A_186, %swap3A_187] {strides = array<i32>} : memref<8x32x256xf32, #tpu.memory_space<vmem>>, vector<16xf32>,
      tpu.vector_store %arg5[%swap3A_185, %swap3A_186, %swap3A_187], %broadcast_in_dim3A_6 {strides = array<i32>} : memref<8x32x256xf32, #tpu.memory_space<vmem>>, vector<16xf32>,
      %swap3A_189 = arith.index_cast %add3A_139 : i32 to index
      %swap3A_190 = arith.index_cast %select_n3A_153 : i32 to index
      %swap3A_191 = arith.constant 144 : index
      %swap3A_192 = tpu.vector_load %arg5[%swap3A_189, %swap3A_190, %swap3A_191] {strides = array<i32>} : memref<8x32x256xf32, #tpu.memory_space<vmem>>, vector<16xf32>,
      tpu.vector_store %arg5[%swap3A_189, %swap3A_190, %swap3A_191], %broadcast_in_dim3A_6 {strides = array<i32>} : memref<8x32x256xf32, #tpu.memory_space<vmem>>, vector<16xf32>,
      %swap3A_193 = arith.index_cast %add3A_139 : i32 to index
      %swap3A_194 = arith.index_cast %select_n3A_153 : i32 to index
      %swap3A_195 = arith.constant 160 : index
      %swap3A_196 = tpu.vector_load %arg5[%swap3A_193, %swap3A_194, %swap3A_195] {strides = array<i32>} : memref<8x32x256xf32, #tpu.memory_space<vmem>>, vector<16xf32>,
      tpu.vector_store %arg5[%swap3A_193, %swap3A_194, %swap3A_195], %broadcast_in_dim3A_6 {strides = array<i32>} : memref<8x32x256xf32, #tpu.memory_space<vmem>>, vector<16xf32>,
      %swap3A_197 = arith.index_cast %add3A_139 : i32 to index
      %swap3A_198 = arith.index_cast %select_n3A_153 : i32 to index
      %swap3A_199 = arith.constant 176 : index
      %swap3A_200 = tpu.vector_load %arg5[%swap3A_197, %swap3A_198, %swap3A_199] {strides = array<i32>} : memref<8x32x256xf32, #tpu.memory_space<vmem>>, vector<16xf32>,
      tpu.vector_store %arg5[%swap3A_197, %swap3A_198, %swap3A_199], %broadcast_in_dim3A_6 {strides = array<i32>} : memref<8x32x256xf32, #tpu.memory_space<vmem>>, vector<16xf32>,
      %swap3A_201 = arith.index_cast %add3A_139 : i32 to index
      %swap3A_202 = arith.index_cast %select_n3A_153 : i32 to index
      %swap3A_203 = arith.constant 192 : index
      %swap3A_204 = tpu.vector_load %arg5[%swap3A_201, %swap3A_202, %swap3A_203] {strides = array<i32>} : memref<8x32x256xf32, #tpu.memory_space<vmem>>, vector<16xf32>,
      tpu.vector_store %arg5[%swap3A_201, %swap3A_202, %swap3A_203], %broadcast_in_dim3A_6 {strides = array<i32>} : memref<8x32x256xf32, #tpu.memory_space<vmem>>, vector<16xf32>,
      %swap3A_205 = arith.index_cast %add3A_139 : i32 to index
      %swap3A_206 = arith.index_cast %select_n3A_153 : i32 to index
      %swap3A_207 = arith.constant 208 : index
      %swap3A_208 = tpu.vector_load %arg5[%swap3A_205, %swap3A_206, %swap3A_207] {strides = array<i32>} : memref<8x32x256xf32, #tpu.memory_space<vmem>>, vector<16xf32>,
      tpu.vector_store %arg5[%swap3A_205, %swap3A_206, %swap3A_207], %broadcast_in_dim3A_6 {strides = array<i32>} : memref<8x32x256xf32, #tpu.memory_space<vmem>>, vector<16xf32>,
      %swap3A_209 = arith.index_cast %add3A_139 : i32 to index
      %swap3A_210 = arith.index_cast %select_n3A_153 : i32 to index
      %swap3A_211 = arith.constant 224 : index
      %swap3A_212 = tpu.vector_load %arg5[%swap3A_209, %swap3A_210, %swap3A_211] {strides = array<i32>} : memref<8x32x256xf32, #tpu.memory_space<vmem>>, vector<16xf32>,
      tpu.vector_store %arg5[%swap3A_209, %swap3A_210, %swap3A_211], %broadcast_in_dim3A_6 {strides = array<i32>} : memref<8x32x256xf32, #tpu.memory_space<vmem>>, vector<16xf32>,
      %swap3A_213 = arith.index_cast %add3A_139 : i32 to index
      %swap3A_214 = arith.index_cast %select_n3A_153 : i32 to index
      %swap3A_215 = arith.constant 240 : index
      %swap3A_216 = tpu.vector_load %arg5[%swap3A_213, %swap3A_214, %swap3A_215] {strides = array<i32>} : memref<8x32x256xf32, #tpu.memory_space<vmem>>, vector<16xf32>,
      tpu.vector_store %arg5[%swap3A_213, %swap3A_214, %swap3A_215], %broadcast_in_dim3A_6 {strides = array<i32>} : memref<8x32x256xf32, #tpu.memory_space<vmem>>, vector<16xf32>,
    }
    %scan3A_11 = arith.constant 128 : i32
    %dma_wait3A = arith.constant 0 : i32
    %dma_wait3A_12 = tpu.memref_slice %arg2[%dma_wait3A] : memref<163840xf32, #tpu.memory_space<hbm>> -> memref<5120xf32, #tpu.memory_space<hbm>>
    %dma_wait3A_13 = arith.constant 0 : i32
    %dma_wait3A_14 = tpu.memref_slice %arg2[%dma_wait3A_13] : memref<163840xf32, #tpu.memory_space<hbm>> -> memref<5120xf32, #tpu.memory_space<hbm>>
    tpu.wait_dma2 semaphore(%arg7 : memref<!tpu.dma_semaphore, #tpu.memory_space<semaphore_mem>>) src(%dma_wait3A_14 : memref<5120xf32, #tpu.memory_space<hbm>>) dst(%arg4 : memref<5120xf32, #tpu.memory_space<vmem>>)
    %scan3A_15 = arith.constant 0 : i32
    %scan3A_16 = arith.constant 0 : i32
    %scan3A_17 = arith.constant 8 : i32
    %scan3A_18 = arith.addi %scan3A_16, %scan3A_17 : i32
    %scan3A_19 = arith.constant 1 : i32
    scf.for %scan3A_121 = %scan3A_16 to %scan3A_18 step %scan3A_19  : i32 {
      %mul3A_122 = arith.constant 16 : i32
      %mul3A_123 = arith.muli %scan3A_121, %mul3A_122 : i32
      %add3A_124 = arith.constant 0 : i32
      %add3A_125 = arith.addi %add3A_124, %mul3A_123 : i32
      %get3A = arith.index_cast %add3A_125 : i32 to index
      %get3A_126 = tpu.vector_load %arg4[%get3A] {strides = array<i32>} : memref<5120xf32, #tpu.memory_space<vmem>>, vector<16xf32>,
      %jit3A = arith.constant 9.99999997E-7 : f32
      %jit3A_127 = arith.constant 0.999998986 : f32
      %max3A = vector.broadcast %jit3A : f32 to vector<16xf32>
      %max3A_128 = arith.maximumf %max3A, %get3A_126 : vector<16xf32>
      %min3A = vector.broadcast %jit3A_127 : f32 to vector<16xf32>
      %min3A_129 = arith.minimumf %min3A, %max3A_128 : vector<16xf32>
      %mul3A_130 = arith.constant 2.560000e+02 : f32
      %mul3A_131 = vector.broadcast %mul3A_130 : f32 to vector<16xf32>
      %mul3A_132 = arith.mulf %min3A_129, %mul3A_131 : vector<16xf32>
      %convert_element_type3A = arith.fptosi %mul3A_132 : vector<16xf32> to vector<16xi32>
      %jit3A_133 = arith.constant 0 : i32
      %jit3A_134 = arith.constant 255 : i32
      %max3A_135 = vector.broadcast %jit3A_133 : i32 to vector<16xi32>
      %max3A_136 = arith.maxsi %max3A_135, %convert_element_type3A : vector<16xi32>
      %min3A_137 = vector.broadcast %jit3A_134 : i32 to vector<16xi32>
      %min3A_138 = arith.minsi %min3A_137, %max3A_136 : vector<16xi32>
      %mul3A_139 = arith.constant 16 : i32
      %mul3A_140 = arith.muli %scan3A_121, %mul3A_139 : i32
      %add3A_141 = arith.constant 0 : i32
      %add3A_142 = arith.addi %add3A_141, %mul3A_140 : i32
      %swap3A = arith.index_cast %add3A_142 : i32 to index
      %swap3A_143 = tpu.vector_load %arg6[%swap3A] {strides = array<i32>} : memref<256xi32, #tpu.memory_space<vmem>>, vector<16xi32>,
      tpu.vector_store %arg6[%swap3A], %min3A_138 {strides = array<i32>} : memref<256xi32, #tpu.memory_space<vmem>>, vector<16xi32>,
      %mul3A_144 = arith.constant 16 : i32
      %mul3A_145 = arith.muli %scan3A_121, %mul3A_144 : i32
      %add3A_146 = vector.broadcast %mul3A_145 : i32 to vector<16xi32>
      %add3A_147 = arith.addi %add3A_146, %iota3A : vector<16xi32>
      %shift_right_arithmetic3A = arith.constant 5 : i32
      %shift_right_arithmetic3A_148 = vector.broadcast %shift_right_arithmetic3A : i32 to vector<16xi32>
      %shift_right_arithmetic3A_149 = arith.shrsi %add3A_147, %shift_right_arithmetic3A_148 : vector<16xi32>
      %add3A_150 = arith.constant 0 : i32
      %add3A_151 = vector.broadcast %add3A_150 : i32 to vector<16xi32>
      %add3A_152 = arith.addi %add3A_151, %shift_right_arithmetic3A_149 : vector<16xi32>
      %and3A = arith.constant 31 : i32
      %and3A_153 = vector.broadcast %and3A : i32 to vector<16xi32>
      %and3A_154 = arith.andi %add3A_147, %and3A_153 : vector<16xi32>
      tpu.vector_store_idx %arg5[%add3A_152, %and3A_154, %min3A_138], %broadcast_in_dim3A_4 : memref<8x32x256xf32, #tpu.memory_space<vmem>>[vector<16xi32>, vector<16xi32>, vector<16xi32>], vector<16xf32>,
    }
    %scan3A_20 = arith.constant 8 : i32
    %mul3A_21 = arith.constant 8 : i32
    %mul3A_22 = arith.muli %add3A, %mul3A_21 : i32
    %add3A_23 = arith.constant 0 : i32
    %add3A_24 = arith.addi %mul3A_22, %add3A_23 : i32
    %dma_start3A_25 = arith.constant 0 : i32
    %dma_start3A_26 = arith.constant 0 : i32
    %dma_start3A_27 = arith.constant 0 : i32
    %dma_start3A_28 = tpu.memref_slice %arg5[%dma_start3A_25, %dma_start3A_26, %dma_start3A_27] : memref<8x32x256xf32, #tpu.memory_space<vmem>> -> memref<4x32x256xf32, #tpu.memory_space<vmem>>
    %dma_start3A_29 = arith.constant 0 : i32
    %dma_start3A_30 = arith.constant 0 : i32
    %dma_start3A_31 = arith.constant 0 : i32
    %dma_start3A_32 = tpu.memref_slice %arg3[%add3A_24, %dma_start3A_29, %dma_start3A_30, %dma_start3A_31] : memref<256x20x32x256xf32, #tpu.memory_space<hbm>> -> memref<1x4x32x256xf32, #tpu.memory_space<hbm>>
    %dma_start3A_33 = tpu.memref_squeeze %dma_start3A_32 : memref<1x4x32x256xf32, #tpu.memory_space<hbm>> -> memref<4x32x256xf32, #tpu.memory_space<hbm>>
    %dma_start3A_34 = arith.constant 0 : i32
    %dma_start3A_35 = arith.constant 0 : i32
    %dma_start3A_36 = arith.constant 0 : i32
    %dma_start3A_37 = tpu.memref_slice %arg3[%add3A_24, %dma_start3A_34, %dma_start3A_35, %dma_start3A_36] : memref<256x20x32x256xf32, #tpu.memory_space<hbm>> -> memref<1x4x32x256xf32, #tpu.memory_space<hbm>>
    %dma_start3A_38 = tpu.memref_squeeze %dma_start3A_37 : memref<1x4x32x256xf32, #tpu.memory_space<hbm>> -> memref<4x32x256xf32, #tpu.memory_space<hbm>>
    %dma_start3A_39 = arith.constant 0 : i32
    %dma_start3A_40 = arith.constant 0 : i32
    %dma_start3A_41 = arith.constant 0 : i32
    %dma_start3A_42 = tpu.memref_slice %arg5[%dma_start3A_39, %dma_start3A_40, %dma_start3A_41] : memref<8x32x256xf32, #tpu.memory_space<vmem>> -> memref<4x32x256xf32, #tpu.memory_space<vmem>>
    tpu.enqueue_dma source(%dma_start3A_42 : memref<4x32x256xf32, #tpu.memory_space<vmem>>) target(%dma_start3A_38 : memref<4x32x256xf32, #tpu.memory_space<hbm>>) target_semaphore(%arg8 : memref<!tpu.dma_semaphore, #tpu.memory_space<semaphore_mem>>)
    %scan3A_43 = arith.constant 0 : i32
    %scan3A_44 = arith.constant 0 : i32
    %scan3A_45 = arith.constant 128 : i32
    %scan3A_46 = arith.addi %scan3A_44, %scan3A_45 : i32
    %scan3A_47 = arith.constant 1 : i32
    scf.for %scan3A_121 = %scan3A_44 to %scan3A_46 step %scan3A_47  : i32 {
      %jit3A = arith.constant 32 : i32
      %div3A = arith.divsi %scan3A_121, %jit3A : i32
      %sign3A = arith.constant 0 : i32
      %sign3A_122 = arith.cmpi sgt, %scan3A_121, %sign3A : i32
      %sign3A_123 = arith.extui %sign3A_122 : i1 to i32
      %sign3A_124 = arith.constant 0 : i32
      %sign3A_125 = arith.cmpi slt, %scan3A_121, %sign3A_124 : i32
      %sign3A_126 = arith.extui %sign3A_125 : i1 to i32
      %sign3A_127 = arith.subi %sign3A_123, %sign3A_126 : i32
      %sign3A_128 = arith.constant 0 : i32
      %sign3A_129 = arith.cmpi sgt, %jit3A, %sign3A_128 : i32
      %sign3A_130 = arith.extui %sign3A_129 : i1 to i32
      %sign3A_131 = arith.constant 0 : i32
      %sign3A_132 = arith.cmpi slt, %jit3A, %sign3A_131 : i32
      %sign3A_133 = arith.extui %sign3A_132 : i1 to i32
      %sign3A_134 = arith.subi %sign3A_130, %sign3A_133 : i32
      %ne3A = arith.cmpi ne, %sign3A_127, %sign3A_134 : i32
      %rem3A = arith.remsi %scan3A_121, %jit3A : i32
      %ne3A_135 = arith.constant 0 : i32
      %ne3A_136 = arith.cmpi ne, %rem3A, %ne3A_135 : i32
      %and3A = arith.andi %ne3A, %ne3A_136 : i1
      %sub3A = arith.constant 1 : i32
      %sub3A_137 = arith.subi %div3A, %sub3A : i32
      %select_n3A = arith.select %and3A, %sub3A_137, %div3A : i32
      %add3A_138 = arith.constant 4 : i32
      %add3A_139 = arith.addi %add3A_138, %select_n3A : i32
      %jit3A_140 = arith.constant 32 : i32
      %eq3A = arith.constant 0 : i32
      %eq3A_141 = arith.cmpi eq, %jit3A_140, %eq3A : i32
      %jit3A_142 = arith.constant 1 : i32
      %select_n3A_143 = arith.select %eq3A_141, %jit3A_142, %jit3A_140 : i32
      %rem3A_144 = arith.remsi %scan3A_121, %select_n3A_143 : i32
      %ne3A_145 = arith.constant 0 : i32
      %ne3A_146 = arith.cmpi ne, %rem3A_144, %ne3A_145 : i32
      %lt3A = arith.constant 0 : i32
      %lt3A_147 = arith.cmpi slt, %rem3A_144, %lt3A : i32
      %lt3A_148 = arith.constant 0 : i32
      %lt3A_149 = arith.cmpi slt, %select_n3A_143, %lt3A_148 : i32
      %ne3A_150 = arith.xori %lt3A_147, %lt3A_149 : i1
      %and3A_151 = arith.andi %ne3A_150, %ne3A_146 : i1
      %add3A_152 = arith.addi %rem3A_144, %select_n3A_143 : i32
      %select_n3A_153 = arith.select %and3A_151, %add3A_152, %rem3A_144 : i32
      %swap3A = arith.index_cast %add3A_139 : i32 to index
      %swap3A_154 = arith.index_cast %select_n3A_153 : i32 to index
      %swap3A_155 = arith.constant 0 : index
      %swap3A_156 = tpu.vector_load %arg5[%swap3A, %swap3A_154, %swap3A_155] {strides = array<i32>} : memref<8x32x256xf32, #tpu.memory_space<vmem>>, vector<16xf32>,
      tpu.vector_store %arg5[%swap3A, %swap3A_154, %swap3A_155], %broadcast_in_dim3A_6 {strides = array<i32>} : memref<8x32x256xf32, #tpu.memory_space<vmem>>, vector<16xf32>,
      %swap3A_157 = arith.index_cast %add3A_139 : i32 to index
      %swap3A_158 = arith.index_cast %select_n3A_153 : i32 to index
      %swap3A_159 = arith.constant 16 : index
      %swap3A_160 = tpu.vector_load %arg5[%swap3A_157, %swap3A_158, %swap3A_159] {strides = array<i32>} : memref<8x32x256xf32, #tpu.memory_space<vmem>>, vector<16xf32>,
      tpu.vector_store %arg5[%swap3A_157, %swap3A_158, %swap3A_159], %broadcast_in_dim3A_6 {strides = array<i32>} : memref<8x32x256xf32, #tpu.memory_space<vmem>>, vector<16xf32>,
      %swap3A_161 = arith.index_cast %add3A_139 : i32 to index
      %swap3A_162 = arith.index_cast %select_n3A_153 : i32 to index
      %swap3A_163 = arith.constant 32 : index
      %swap3A_164 = tpu.vector_load %arg5[%swap3A_161, %swap3A_162, %swap3A_163] {strides = array<i32>} : memref<8x32x256xf32, #tpu.memory_space<vmem>>, vector<16xf32>,
      tpu.vector_store %arg5[%swap3A_161, %swap3A_162, %swap3A_163], %broadcast_in_dim3A_6 {strides = array<i32>} : memref<8x32x256xf32, #tpu.memory_space<vmem>>, vector<16xf32>,
      %swap3A_165 = arith.index_cast %add3A_139 : i32 to index
      %swap3A_166 = arith.index_cast %select_n3A_153 : i32 to index
      %swap3A_167 = arith.constant 48 : index
      %swap3A_168 = tpu.vector_load %arg5[%swap3A_165, %swap3A_166, %swap3A_167] {strides = array<i32>} : memref<8x32x256xf32, #tpu.memory_space<vmem>>, vector<16xf32>,
      tpu.vector_store %arg5[%swap3A_165, %swap3A_166, %swap3A_167], %broadcast_in_dim3A_6 {strides = array<i32>} : memref<8x32x256xf32, #tpu.memory_space<vmem>>, vector<16xf32>,
      %swap3A_169 = arith.index_cast %add3A_139 : i32 to index
      %swap3A_170 = arith.index_cast %select_n3A_153 : i32 to index
      %swap3A_171 = arith.constant 64 : index
      %swap3A_172 = tpu.vector_load %arg5[%swap3A_169, %swap3A_170, %swap3A_171] {strides = array<i32>} : memref<8x32x256xf32, #tpu.memory_space<vmem>>, vector<16xf32>,
      tpu.vector_store %arg5[%swap3A_169, %swap3A_170, %swap3A_171], %broadcast_in_dim3A_6 {strides = array<i32>} : memref<8x32x256xf32, #tpu.memory_space<vmem>>, vector<16xf32>,
      %swap3A_173 = arith.index_cast %add3A_139 : i32 to index
      %swap3A_174 = arith.index_cast %select_n3A_153 : i32 to index
      %swap3A_175 = arith.constant 80 : index
      %swap3A_176 = tpu.vector_load %arg5[%swap3A_173, %swap3A_174, %swap3A_175] {strides = array<i32>} : memref<8x32x256xf32, #tpu.memory_space<vmem>>, vector<16xf32>,
      tpu.vector_store %arg5[%swap3A_173, %swap3A_174, %swap3A_175], %broadcast_in_dim3A_6 {strides = array<i32>} : memref<8x32x256xf32, #tpu.memory_space<vmem>>, vector<16xf32>,
      %swap3A_177 = arith.index_cast %add3A_139 : i32 to index
      %swap3A_178 = arith.index_cast %select_n3A_153 : i32 to index
      %swap3A_179 = arith.constant 96 : index
      %swap3A_180 = tpu.vector_load %arg5[%swap3A_177, %swap3A_178, %swap3A_179] {strides = array<i32>} : memref<8x32x256xf32, #tpu.memory_space<vmem>>, vector<16xf32>,
      tpu.vector_store %arg5[%swap3A_177, %swap3A_178, %swap3A_179], %broadcast_in_dim3A_6 {strides = array<i32>} : memref<8x32x256xf32, #tpu.memory_space<vmem>>, vector<16xf32>,
      %swap3A_181 = arith.index_cast %add3A_139 : i32 to index
      %swap3A_182 = arith.index_cast %select_n3A_153 : i32 to index
      %swap3A_183 = arith.constant 112 : index
      %swap3A_184 = tpu.vector_load %arg5[%swap3A_181, %swap3A_182, %swap3A_183] {strides = array<i32>} : memref<8x32x256xf32, #tpu.memory_space<vmem>>, vector<16xf32>,
      tpu.vector_store %arg5[%swap3A_181, %swap3A_182, %swap3A_183], %broadcast_in_dim3A_6 {strides = array<i32>} : memref<8x32x256xf32, #tpu.memory_space<vmem>>, vector<16xf32>,
      %swap3A_185 = arith.index_cast %add3A_139 : i32 to index
      %swap3A_186 = arith.index_cast %select_n3A_153 : i32 to index
      %swap3A_187 = arith.constant 128 : index
      %swap3A_188 = tpu.vector_load %arg5[%swap3A_185, %swap3A_186, %swap3A_187] {strides = array<i32>} : memref<8x32x256xf32, #tpu.memory_space<vmem>>, vector<16xf32>,
      tpu.vector_store %arg5[%swap3A_185, %swap3A_186, %swap3A_187], %broadcast_in_dim3A_6 {strides = array<i32>} : memref<8x32x256xf32, #tpu.memory_space<vmem>>, vector<16xf32>,
      %swap3A_189 = arith.index_cast %add3A_139 : i32 to index
      %swap3A_190 = arith.index_cast %select_n3A_153 : i32 to index
      %swap3A_191 = arith.constant 144 : index
      %swap3A_192 = tpu.vector_load %arg5[%swap3A_189, %swap3A_190, %swap3A_191] {strides = array<i32>} : memref<8x32x256xf32, #tpu.memory_space<vmem>>, vector<16xf32>,
      tpu.vector_store %arg5[%swap3A_189, %swap3A_190, %swap3A_191], %broadcast_in_dim3A_6 {strides = array<i32>} : memref<8x32x256xf32, #tpu.memory_space<vmem>>, vector<16xf32>,
      %swap3A_193 = arith.index_cast %add3A_139 : i32 to index
      %swap3A_194 = arith.index_cast %select_n3A_153 : i32 to index
      %swap3A_195 = arith.constant 160 : index
      %swap3A_196 = tpu.vector_load %arg5[%swap3A_193, %swap3A_194, %swap3A_195] {strides = array<i32>} : memref<8x32x256xf32, #tpu.memory_space<vmem>>, vector<16xf32>,
      tpu.vector_store %arg5[%swap3A_193, %swap3A_194, %swap3A_195], %broadcast_in_dim3A_6 {strides = array<i32>} : memref<8x32x256xf32, #tpu.memory_space<vmem>>, vector<16xf32>,
      %swap3A_197 = arith.index_cast %add3A_139 : i32 to index
      %swap3A_198 = arith.index_cast %select_n3A_153 : i32 to index
      %swap3A_199 = arith.constant 176 : index
      %swap3A_200 = tpu.vector_load %arg5[%swap3A_197, %swap3A_198, %swap3A_199] {strides = array<i32>} : memref<8x32x256xf32, #tpu.memory_space<vmem>>, vector<16xf32>,
      tpu.vector_store %arg5[%swap3A_197, %swap3A_198, %swap3A_199], %broadcast_in_dim3A_6 {strides = array<i32>} : memref<8x32x256xf32, #tpu.memory_space<vmem>>, vector<16xf32>,
      %swap3A_201 = arith.index_cast %add3A_139 : i32 to index
      %swap3A_202 = arith.index_cast %select_n3A_153 : i32 to index
      %swap3A_203 = arith.constant 192 : index
      %swap3A_204 = tpu.vector_load %arg5[%swap3A_201, %swap3A_202, %swap3A_203] {strides = array<i32>} : memref<8x32x256xf32, #tpu.memory_space<vmem>>, vector<16xf32>,
      tpu.vector_store %arg5[%swap3A_201, %swap3A_202, %swap3A_203], %broadcast_in_dim3A_6 {strides = array<i32>} : memref<8x32x256xf32, #tpu.memory_space<vmem>>, vector<16xf32>,
      %swap3A_205 = arith.index_cast %add3A_139 : i32 to index
      %swap3A_206 = arith.index_cast %select_n3A_153 : i32 to index
      %swap3A_207 = arith.constant 208 : index
      %swap3A_208 = tpu.vector_load %arg5[%swap3A_205, %swap3A_206, %swap3A_207] {strides = array<i32>} : memref<8x32x256xf32, #tpu.memory_space<vmem>>, vector<16xf32>,
      tpu.vector_store %arg5[%swap3A_205, %swap3A_206, %swap3A_207], %broadcast_in_dim3A_6 {strides = array<i32>} : memref<8x32x256xf32, #tpu.memory_space<vmem>>, vector<16xf32>,
      %swap3A_209 = arith.index_cast %add3A_139 : i32 to index
      %swap3A_210 = arith.index_cast %select_n3A_153 : i32 to index
      %swap3A_211 = arith.constant 224 : index
      %swap3A_212 = tpu.vector_load %arg5[%swap3A_209, %swap3A_210, %swap3A_211] {strides = array<i32>} : memref<8x32x256xf32, #tpu.memory_space<vmem>>, vector<16xf32>,
      tpu.vector_store %arg5[%swap3A_209, %swap3A_210, %swap3A_211], %broadcast_in_dim3A_6 {strides = array<i32>} : memref<8x32x256xf32, #tpu.memory_space<vmem>>, vector<16xf32>,
      %swap3A_213 = arith.index_cast %add3A_139 : i32 to index
      %swap3A_214 = arith.index_cast %select_n3A_153 : i32 to index
      %swap3A_215 = arith.constant 240 : index
      %swap3A_216 = tpu.vector_load %arg5[%swap3A_213, %swap3A_214, %swap3A_215] {strides = array<i32>} : memref<8x32x256xf32, #tpu.memory_space<vmem>>, vector<16xf32>,
      tpu.vector_store %arg5[%swap3A_213, %swap3A_214, %swap3A_215], %broadcast_in_dim3A_6 {strides = array<i32>} : memref<8x32x256xf32, #tpu.memory_space<vmem>>, vector<16xf32>,
    }
    %scan3A_48 = arith.constant 128 : i32
    %scan3A_49 = arith.constant 0 : i32
    %scan3A_50 = arith.constant 0 : i32
    %scan3A_51 = arith.constant 8 : i32
    %scan3A_52 = arith.addi %scan3A_50, %scan3A_51 : i32
    %scan3A_53 = arith.constant 1 : i32
    scf.for %scan3A_121 = %scan3A_50 to %scan3A_52 step %scan3A_53  : i32 {
      %mul3A_122 = arith.constant 16 : i32
      %mul3A_123 = arith.muli %scan3A_121, %mul3A_122 : i32
      %add3A_124 = arith.constant 128 : i32
      %add3A_125 = arith.addi %add3A_124, %mul3A_123 : i32
      %get3A = arith.index_cast %add3A_125 : i32 to index
      %get3A_126 = tpu.vector_load %arg4[%get3A] {strides = array<i32>} : memref<5120xf32, #tpu.memory_space<vmem>>, vector<16xf32>,
      %jit3A = arith.constant 9.99999997E-7 : f32
      %jit3A_127 = arith.constant 0.999998986 : f32
      %max3A = vector.broadcast %jit3A : f32 to vector<16xf32>
      %max3A_128 = arith.maximumf %max3A, %get3A_126 : vector<16xf32>
      %min3A = vector.broadcast %jit3A_127 : f32 to vector<16xf32>
      %min3A_129 = arith.minimumf %min3A, %max3A_128 : vector<16xf32>
      %mul3A_130 = arith.constant 2.560000e+02 : f32
      %mul3A_131 = vector.broadcast %mul3A_130 : f32 to vector<16xf32>
      %mul3A_132 = arith.mulf %min3A_129, %mul3A_131 : vector<16xf32>
      %convert_element_type3A = arith.fptosi %mul3A_132 : vector<16xf32> to vector<16xi32>
      %jit3A_133 = arith.constant 0 : i32
      %jit3A_134 = arith.constant 255 : i32
      %max3A_135 = vector.broadcast %jit3A_133 : i32 to vector<16xi32>
      %max3A_136 = arith.maxsi %max3A_135, %convert_element_type3A : vector<16xi32>
      %min3A_137 = vector.broadcast %jit3A_134 : i32 to vector<16xi32>
      %min3A_138 = arith.minsi %min3A_137, %max3A_136 : vector<16xi32>
      %mul3A_139 = arith.constant 16 : i32
      %mul3A_140 = arith.muli %scan3A_121, %mul3A_139 : i32
      %add3A_141 = arith.constant 128 : i32
      %add3A_142 = arith.addi %add3A_141, %mul3A_140 : i32
      %swap3A = arith.index_cast %add3A_142 : i32 to index
      %swap3A_143 = tpu.vector_load %arg6[%swap3A] {strides = array<i32>} : memref<256xi32, #tpu.memory_space<vmem>>, vector<16xi32>,
      tpu.vector_store %arg6[%swap3A], %min3A_138 {strides = array<i32>} : memref<256xi32, #tpu.memory_space<vmem>>, vector<16xi32>,
      %mul3A_144 = arith.constant 16 : i32
      %mul3A_145 = arith.muli %scan3A_121, %mul3A_144 : i32
      %add3A_146 = vector.broadcast %mul3A_145 : i32 to vector<16xi32>
      %add3A_147 = arith.addi %add3A_146, %iota3A : vector<16xi32>
      %shift_right_arithmetic3A = arith.constant 5 : i32
      %shift_right_arithmetic3A_148 = vector.broadcast %shift_right_arithmetic3A : i32 to vector<16xi32>
      %shift_right_arithmetic3A_149 = arith.shrsi %add3A_147, %shift_right_arithmetic3A_148 : vector<16xi32>
      %add3A_150 = arith.constant 4 : i32
      %add3A_151 = vector.broadcast %add3A_150 : i32 to vector<16xi32>
      %add3A_152 = arith.addi %add3A_151, %shift_right_arithmetic3A_149 : vector<16xi32>
      %and3A = arith.constant 31 : i32
      %and3A_153 = vector.broadcast %and3A : i32 to vector<16xi32>
      %and3A_154 = arith.andi %add3A_147, %and3A_153 : vector<16xi32>
      tpu.vector_store_idx %arg5[%add3A_152, %and3A_154, %min3A_138], %broadcast_in_dim3A_4 : memref<8x32x256xf32, #tpu.memory_space<vmem>>[vector<16xi32>, vector<16xi32>, vector<16xi32>], vector<16xf32>,
    }
    %scan3A_54 = arith.constant 8 : i32
    %mul3A_55 = arith.constant 8 : i32
    %mul3A_56 = arith.muli %add3A, %mul3A_55 : i32
    %add3A_57 = arith.constant 0 : i32
    %add3A_58 = arith.addi %mul3A_56, %add3A_57 : i32
    %dma_start3A_59 = arith.constant 4 : i32
    %dma_start3A_60 = arith.constant 0 : i32
    %dma_start3A_61 = arith.constant 0 : i32
    %dma_start3A_62 = tpu.memref_slice %arg5[%dma_start3A_59, %dma_start3A_60, %dma_start3A_61] : memref<8x32x256xf32, #tpu.memory_space<vmem>> -> memref<4x32x256xf32, #tpu.memory_space<vmem>>
    %dma_start3A_63 = arith.constant 4 : i32
    %dma_start3A_64 = arith.constant 0 : i32
    %dma_start3A_65 = arith.constant 0 : i32
    %dma_start3A_66 = tpu.memref_slice %arg3[%add3A_58, %dma_start3A_63, %dma_start3A_64, %dma_start3A_65] : memref<256x20x32x256xf32, #tpu.memory_space<hbm>> -> memref<1x4x32x256xf32, #tpu.memory_space<hbm>>
    %dma_start3A_67 = tpu.memref_squeeze %dma_start3A_66 : memref<1x4x32x256xf32, #tpu.memory_space<hbm>> -> memref<4x32x256xf32, #tpu.memory_space<hbm>>
    %dma_start3A_68 = arith.constant 4 : i32
    %dma_start3A_69 = arith.constant 0 : i32
    %dma_start3A_70 = arith.constant 0 : i32
    %dma_start3A_71 = tpu.memref_slice %arg3[%add3A_58, %dma_start3A_68, %dma_start3A_69, %dma_start3A_70] : memref<256x20x32x256xf32, #tpu.memory_space<hbm>> -> memref<1x4x32x256xf32, #tpu.memory_space<hbm>>
    %dma_start3A_72 = tpu.memref_squeeze %dma_start3A_71 : memref<1x4x32x256xf32, #tpu.memory_space<hbm>> -> memref<4x32x256xf32, #tpu.memory_space<hbm>>
    %dma_start3A_73 = arith.constant 4 : i32
    %dma_start3A_74 = arith.constant 0 : i32
    %dma_start3A_75 = arith.constant 0 : i32
    %dma_start3A_76 = tpu.memref_slice %arg5[%dma_start3A_73, %dma_start3A_74, %dma_start3A_75] : memref<8x32x256xf32, #tpu.memory_space<vmem>> -> memref<4x32x256xf32, #tpu.memory_space<vmem>>
    tpu.enqueue_dma source(%dma_start3A_76 : memref<4x32x256xf32, #tpu.memory_space<vmem>>) target(%dma_start3A_72 : memref<4x32x256xf32, #tpu.memory_space<hbm>>) target_semaphore(%arg9 : memref<!tpu.dma_semaphore, #tpu.memory_space<semaphore_mem>>)
    %scan3A_77 = arith.constant 0 : i32
    %scan3A_78 = arith.constant 1 : i32
    %scan3A_79 = arith.constant 19 : i32
    %scan3A_80 = arith.addi %scan3A_78, %scan3A_79 : i32
    %scan3A_81 = arith.constant 1 : i32
    scf.for %scan3A_121 = %scan3A_78 to %scan3A_80 step %scan3A_81  : i32 {
      %mul3A_122 = arith.constant 2 : i32
      %mul3A_123 = arith.muli %scan3A_121, %mul3A_122 : i32
      %add3A_124 = arith.constant 0 : i32
      %add3A_125 = arith.addi %mul3A_123, %add3A_124 : i32
      %dma_wait3A_126 = arith.constant 0 : i32
      %dma_wait3A_127 = arith.constant 0 : i32
      %dma_wait3A_128 = arith.constant 0 : i32
      %dma_wait3A_129 = arith.constant 0 : i32
      %dma_wait3A_130 = tpu.memref_slice %arg5[%dma_wait3A_127, %dma_wait3A_128, %dma_wait3A_129] : memref<8x32x256xf32, #tpu.memory_space<vmem>> -> memref<4x32x256xf32, #tpu.memory_space<vmem>>
      %dma_wait3A_131 = arith.constant 0 : i32
      %dma_wait3A_132 = arith.constant 0 : i32
      %dma_wait3A_133 = arith.constant 0 : i32
      %dma_wait3A_134 = tpu.memref_slice %arg3[%dma_wait3A_126, %dma_wait3A_131, %dma_wait3A_132, %dma_wait3A_133] : memref<256x20x32x256xf32, #tpu.memory_space<hbm>> -> memref<1x4x32x256xf32, #tpu.memory_space<hbm>>
      %dma_wait3A_135 = tpu.memref_squeeze %dma_wait3A_134 : memref<1x4x32x256xf32, #tpu.memory_space<hbm>> -> memref<4x32x256xf32, #tpu.memory_space<hbm>>
      %dma_wait3A_136 = arith.constant 0 : i32
      %dma_wait3A_137 = arith.constant 0 : i32
      %dma_wait3A_138 = arith.constant 0 : i32
      %dma_wait3A_139 = tpu.memref_slice %arg3[%dma_wait3A_126, %dma_wait3A_136, %dma_wait3A_137, %dma_wait3A_138] : memref<256x20x32x256xf32, #tpu.memory_space<hbm>> -> memref<1x4x32x256xf32, #tpu.memory_space<hbm>>
      %dma_wait3A_140 = tpu.memref_squeeze %dma_wait3A_139 : memref<1x4x32x256xf32, #tpu.memory_space<hbm>> -> memref<4x32x256xf32, #tpu.memory_space<hbm>>
      %dma_wait3A_141 = arith.constant 0 : i32
      %dma_wait3A_142 = arith.constant 0 : i32
      %dma_wait3A_143 = arith.constant 0 : i32
      %dma_wait3A_144 = tpu.memref_slice %arg5[%dma_wait3A_141, %dma_wait3A_142, %dma_wait3A_143] : memref<8x32x256xf32, #tpu.memory_space<vmem>> -> memref<4x32x256xf32, #tpu.memory_space<vmem>>
      tpu.wait_dma2 semaphore(%arg8 : memref<!tpu.dma_semaphore, #tpu.memory_space<semaphore_mem>>) src(%dma_wait3A_144 : memref<4x32x256xf32, #tpu.memory_space<vmem>>) dst(%dma_wait3A_140 : memref<4x32x256xf32, #tpu.memory_space<hbm>>)
      %scan3A_145 = arith.constant 0 : i32
      %scan3A_146 = arith.constant 0 : i32
      %scan3A_147 = arith.constant 8 : i32
      %scan3A_148 = arith.addi %scan3A_146, %scan3A_147 : i32
      %scan3A_149 = arith.constant 1 : i32
      scf.for %scan3A_304 = %scan3A_146 to %scan3A_148 step %scan3A_149  : i32 {
        %mul3A_305 = arith.constant 16 : i32
        %mul3A_306 = arith.muli %scan3A_304, %mul3A_305 : i32
        %add3A_307 = vector.broadcast %mul3A_306 : i32 to vector<16xi32>
        %add3A_308 = arith.addi %add3A_307, %iota3A : vector<16xi32>
        %mul3A_309 = arith.constant 16 : i32
        %mul3A_310 = arith.muli %scan3A_304, %mul3A_309 : i32
        %add3A_311 = arith.constant 0 : i32
        %add3A_312 = arith.addi %add3A_311, %mul3A_310 : i32
        %get3A = arith.index_cast %add3A_312 : i32 to index
        %get3A_313 = tpu.vector_load %arg6[%get3A] {strides = array<i32>} : memref<256xi32, #tpu.memory_space<vmem>>, vector<16xi32>,
        %shift_right_arithmetic3A = arith.constant 5 : i32
        %shift_right_arithmetic3A_314 = vector.broadcast %shift_right_arithmetic3A : i32 to vector<16xi32>
        %shift_right_arithmetic3A_315 = arith.shrsi %add3A_308, %shift_right_arithmetic3A_314 : vector<16xi32>
        %add3A_316 = arith.constant 0 : i32
        %add3A_317 = vector.broadcast %add3A_316 : i32 to vector<16xi32>
        %add3A_318 = arith.addi %add3A_317, %shift_right_arithmetic3A_315 : vector<16xi32>
        %and3A_319 = arith.constant 31 : i32
        %and3A_320 = vector.broadcast %and3A_319 : i32 to vector<16xi32>
        %and3A_321 = arith.andi %add3A_308, %and3A_320 : vector<16xi32>
        tpu.vector_store_idx %arg5[%add3A_318, %and3A_321, %get3A_313], %broadcast_in_dim3A_6 : memref<8x32x256xf32, #tpu.memory_space<vmem>>[vector<16xi32>, vector<16xi32>, vector<16xi32>], vector<16xf32>,
      }
      %scan3A_150 = arith.constant 8 : i32
      %scan3A_151 = arith.constant 0 : i32
      %scan3A_152 = arith.constant 0 : i32
      %scan3A_153 = arith.constant 8 : i32
      %scan3A_154 = arith.addi %scan3A_152, %scan3A_153 : i32
      %scan3A_155 = arith.constant 1 : i32
      scf.for %scan3A_304 = %scan3A_152 to %scan3A_154 step %scan3A_155  : i32 {
        %mul3A_305 = arith.constant 128 : i32
        %mul3A_306 = arith.muli %add3A_125, %mul3A_305 : i32
        %mul3A_307 = arith.constant 16 : i32
        %mul3A_308 = arith.muli %scan3A_304, %mul3A_307 : i32
        %add3A_309 = arith.addi %mul3A_306, %mul3A_308 : i32
        %get3A = arith.index_cast %add3A_309 : i32 to index
        %get3A_310 = tpu.vector_load %arg4[%get3A] {strides = array<i32>} : memref<5120xf32, #tpu.memory_space<vmem>>, vector<16xf32>,
        %jit3A_311 = arith.constant 9.99999997E-7 : f32
        %jit3A_312 = arith.constant 0.999998986 : f32
        %max3A = vector.broadcast %jit3A_311 : f32 to vector<16xf32>
        %max3A_313 = arith.maximumf %max3A, %get3A_310 : vector<16xf32>
        %min3A = vector.broadcast %jit3A_312 : f32 to vector<16xf32>
        %min3A_314 = arith.minimumf %min3A, %max3A_313 : vector<16xf32>
        %mul3A_315 = arith.constant 2.560000e+02 : f32
        %mul3A_316 = vector.broadcast %mul3A_315 : f32 to vector<16xf32>
        %mul3A_317 = arith.mulf %min3A_314, %mul3A_316 : vector<16xf32>
        %convert_element_type3A = arith.fptosi %mul3A_317 : vector<16xf32> to vector<16xi32>
        %jit3A_318 = arith.constant 0 : i32
        %jit3A_319 = arith.constant 255 : i32
        %max3A_320 = vector.broadcast %jit3A_318 : i32 to vector<16xi32>
        %max3A_321 = arith.maxsi %max3A_320, %convert_element_type3A : vector<16xi32>
        %min3A_322 = vector.broadcast %jit3A_319 : i32 to vector<16xi32>
        %min3A_323 = arith.minsi %min3A_322, %max3A_321 : vector<16xi32>
        %mul3A_324 = arith.constant 16 : i32
        %mul3A_325 = arith.muli %scan3A_304, %mul3A_324 : i32
        %add3A_326 = arith.constant 0 : i32
        %add3A_327 = arith.addi %add3A_326, %mul3A_325 : i32
        %swap3A = arith.index_cast %add3A_327 : i32 to index
        %swap3A_328 = tpu.vector_load %arg6[%swap3A] {strides = array<i32>} : memref<256xi32, #tpu.memory_space<vmem>>, vector<16xi32>,
        tpu.vector_store %arg6[%swap3A], %min3A_323 {strides = array<i32>} : memref<256xi32, #tpu.memory_space<vmem>>, vector<16xi32>,
        %mul3A_329 = arith.constant 16 : i32
        %mul3A_330 = arith.muli %scan3A_304, %mul3A_329 : i32
        %add3A_331 = vector.broadcast %mul3A_330 : i32 to vector<16xi32>
        %add3A_332 = arith.addi %add3A_331, %iota3A : vector<16xi32>
        %shift_right_arithmetic3A = arith.constant 5 : i32
        %shift_right_arithmetic3A_333 = vector.broadcast %shift_right_arithmetic3A : i32 to vector<16xi32>
        %shift_right_arithmetic3A_334 = arith.shrsi %add3A_332, %shift_right_arithmetic3A_333 : vector<16xi32>
        %add3A_335 = arith.constant 0 : i32
        %add3A_336 = vector.broadcast %add3A_335 : i32 to vector<16xi32>
        %add3A_337 = arith.addi %add3A_336, %shift_right_arithmetic3A_334 : vector<16xi32>
        %and3A_338 = arith.constant 31 : i32
        %and3A_339 = vector.broadcast %and3A_338 : i32 to vector<16xi32>
        %and3A_340 = arith.andi %add3A_332, %and3A_339 : vector<16xi32>
        tpu.vector_store_idx %arg5[%add3A_337, %and3A_340, %min3A_323], %broadcast_in_dim3A_4 : memref<8x32x256xf32, #tpu.memory_space<vmem>>[vector<16xi32>, vector<16xi32>, vector<16xi32>], vector<16xf32>,
      }
      %scan3A_156 = arith.constant 8 : i32
      %mul3A_157 = arith.constant 8 : i32
      %mul3A_158 = arith.muli %add3A, %mul3A_157 : i32
      %jit3A = arith.constant 5 : i32
      %div3A = arith.divsi %add3A_125, %jit3A : i32
      %sign3A = arith.constant 0 : i32
      %sign3A_159 = arith.cmpi sgt, %add3A_125, %sign3A : i32
      %sign3A_160 = arith.extui %sign3A_159 : i1 to i32
      %sign3A_161 = arith.constant 0 : i32
      %sign3A_162 = arith.cmpi slt, %add3A_125, %sign3A_161 : i32
      %sign3A_163 = arith.extui %sign3A_162 : i1 to i32
      %sign3A_164 = arith.subi %sign3A_160, %sign3A_163 : i32
      %sign3A_165 = arith.constant 0 : i32
      %sign3A_166 = arith.cmpi sgt, %jit3A, %sign3A_165 : i32
      %sign3A_167 = arith.extui %sign3A_166 : i1 to i32
      %sign3A_168 = arith.constant 0 : i32
      %sign3A_169 = arith.cmpi slt, %jit3A, %sign3A_168 : i32
      %sign3A_170 = arith.extui %sign3A_169 : i1 to i32
      %sign3A_171 = arith.subi %sign3A_167, %sign3A_170 : i32
      %ne3A = arith.cmpi ne, %sign3A_164, %sign3A_171 : i32
      %rem3A = arith.remsi %add3A_125, %jit3A : i32
      %ne3A_172 = arith.constant 0 : i32
      %ne3A_173 = arith.cmpi ne, %rem3A, %ne3A_172 : i32
      %and3A = arith.andi %ne3A, %ne3A_173 : i1
      %sub3A = arith.constant 1 : i32
      %sub3A_174 = arith.subi %div3A, %sub3A : i32
      %select_n3A = arith.select %and3A, %sub3A_174, %div3A : i32
      %add3A_175 = arith.addi %mul3A_158, %select_n3A : i32
      %jit3A_176 = arith.constant 5 : i32
      %eq3A = arith.constant 0 : i32
      %eq3A_177 = arith.cmpi eq, %jit3A_176, %eq3A : i32
      %jit3A_178 = arith.constant 1 : i32
      %select_n3A_179 = arith.select %eq3A_177, %jit3A_178, %jit3A_176 : i32
      %rem3A_180 = arith.remsi %add3A_125, %select_n3A_179 : i32
      %ne3A_181 = arith.constant 0 : i32
      %ne3A_182 = arith.cmpi ne, %rem3A_180, %ne3A_181 : i32
      %lt3A = arith.constant 0 : i32
      %lt3A_183 = arith.cmpi slt, %rem3A_180, %lt3A : i32
      %lt3A_184 = arith.constant 0 : i32
      %lt3A_185 = arith.cmpi slt, %select_n3A_179, %lt3A_184 : i32
      %ne3A_186 = arith.xori %lt3A_183, %lt3A_185 : i1
      %and3A_187 = arith.andi %ne3A_186, %ne3A_182 : i1
      %add3A_188 = arith.addi %rem3A_180, %select_n3A_179 : i32
      %select_n3A_189 = arith.select %and3A_187, %add3A_188, %rem3A_180 : i32
      %mul3A_190 = arith.constant 4 : i32
      %mul3A_191 = arith.muli %select_n3A_189, %mul3A_190 : i32
      %dma_start3A_192 = arith.constant 0 : i32
      %dma_start3A_193 = arith.constant 0 : i32
      %dma_start3A_194 = arith.constant 0 : i32
      %dma_start3A_195 = tpu.memref_slice %arg5[%dma_start3A_192, %dma_start3A_193, %dma_start3A_194] : memref<8x32x256xf32, #tpu.memory_space<vmem>> -> memref<4x32x256xf32, #tpu.memory_space<vmem>>
      %dma_start3A_196 = arith.constant 0 : i32
      %dma_start3A_197 = arith.constant 0 : i32
      %dma_start3A_198 = tpu.memref_slice %arg3[%add3A_175, %mul3A_191, %dma_start3A_196, %dma_start3A_197] : memref<256x20x32x256xf32, #tpu.memory_space<hbm>> -> memref<1x4x32x256xf32, #tpu.memory_space<hbm>>
      %dma_start3A_199 = tpu.memref_squeeze %dma_start3A_198 : memref<1x4x32x256xf32, #tpu.memory_space<hbm>> -> memref<4x32x256xf32, #tpu.memory_space<hbm>>
      %dma_start3A_200 = arith.constant 0 : i32
      %dma_start3A_201 = arith.constant 0 : i32
      %dma_start3A_202 = tpu.memref_slice %arg3[%add3A_175, %mul3A_191, %dma_start3A_200, %dma_start3A_201] : memref<256x20x32x256xf32, #tpu.memory_space<hbm>> -> memref<1x4x32x256xf32, #tpu.memory_space<hbm>>
      %dma_start3A_203 = tpu.memref_squeeze %dma_start3A_202 : memref<1x4x32x256xf32, #tpu.memory_space<hbm>> -> memref<4x32x256xf32, #tpu.memory_space<hbm>>
      %dma_start3A_204 = arith.constant 0 : i32
      %dma_start3A_205 = arith.constant 0 : i32
      %dma_start3A_206 = arith.constant 0 : i32
      %dma_start3A_207 = tpu.memref_slice %arg5[%dma_start3A_204, %dma_start3A_205, %dma_start3A_206] : memref<8x32x256xf32, #tpu.memory_space<vmem>> -> memref<4x32x256xf32, #tpu.memory_space<vmem>>
      tpu.enqueue_dma source(%dma_start3A_207 : memref<4x32x256xf32, #tpu.memory_space<vmem>>) target(%dma_start3A_203 : memref<4x32x256xf32, #tpu.memory_space<hbm>>) target_semaphore(%arg8 : memref<!tpu.dma_semaphore, #tpu.memory_space<semaphore_mem>>)
      %mul3A_208 = arith.constant 2 : i32
      %mul3A_209 = arith.muli %scan3A_121, %mul3A_208 : i32
      %add3A_210 = arith.constant 1 : i32
      %add3A_211 = arith.addi %mul3A_209, %add3A_210 : i32
      %dma_wait3A_212 = arith.constant 0 : i32
      %dma_wait3A_213 = arith.constant 4 : i32
      %dma_wait3A_214 = arith.constant 0 : i32
      %dma_wait3A_215 = arith.constant 0 : i32
      %dma_wait3A_216 = tpu.memref_slice %arg5[%dma_wait3A_213, %dma_wait3A_214, %dma_wait3A_215] : memref<8x32x256xf32, #tpu.memory_space<vmem>> -> memref<4x32x256xf32, #tpu.memory_space<vmem>>
      %dma_wait3A_217 = arith.constant 0 : i32
      %dma_wait3A_218 = arith.constant 0 : i32
      %dma_wait3A_219 = arith.constant 0 : i32
      %dma_wait3A_220 = tpu.memref_slice %arg3[%dma_wait3A_212, %dma_wait3A_217, %dma_wait3A_218, %dma_wait3A_219] : memref<256x20x32x256xf32, #tpu.memory_space<hbm>> -> memref<1x4x32x256xf32, #tpu.memory_space<hbm>>
      %dma_wait3A_221 = tpu.memref_squeeze %dma_wait3A_220 : memref<1x4x32x256xf32, #tpu.memory_space<hbm>> -> memref<4x32x256xf32, #tpu.memory_space<hbm>>
      %dma_wait3A_222 = arith.constant 0 : i32
      %dma_wait3A_223 = arith.constant 0 : i32
      %dma_wait3A_224 = arith.constant 0 : i32
      %dma_wait3A_225 = tpu.memref_slice %arg3[%dma_wait3A_212, %dma_wait3A_222, %dma_wait3A_223, %dma_wait3A_224] : memref<256x20x32x256xf32, #tpu.memory_space<hbm>> -> memref<1x4x32x256xf32, #tpu.memory_space<hbm>>
      %dma_wait3A_226 = tpu.memref_squeeze %dma_wait3A_225 : memref<1x4x32x256xf32, #tpu.memory_space<hbm>> -> memref<4x32x256xf32, #tpu.memory_space<hbm>>
      %dma_wait3A_227 = arith.constant 4 : i32
      %dma_wait3A_228 = arith.constant 0 : i32
      %dma_wait3A_229 = arith.constant 0 : i32
      %dma_wait3A_230 = tpu.memref_slice %arg5[%dma_wait3A_227, %dma_wait3A_228, %dma_wait3A_229] : memref<8x32x256xf32, #tpu.memory_space<vmem>> -> memref<4x32x256xf32, #tpu.memory_space<vmem>>
      tpu.wait_dma2 semaphore(%arg9 : memref<!tpu.dma_semaphore, #tpu.memory_space<semaphore_mem>>) src(%dma_wait3A_230 : memref<4x32x256xf32, #tpu.memory_space<vmem>>) dst(%dma_wait3A_226 : memref<4x32x256xf32, #tpu.memory_space<hbm>>)
      %scan3A_231 = arith.constant 0 : i32
      %scan3A_232 = arith.constant 0 : i32
      %scan3A_233 = arith.constant 8 : i32
      %scan3A_234 = arith.addi %scan3A_232, %scan3A_233 : i32
      %scan3A_235 = arith.constant 1 : i32
      scf.for %scan3A_304 = %scan3A_232 to %scan3A_234 step %scan3A_235  : i32 {
        %mul3A_305 = arith.constant 16 : i32
        %mul3A_306 = arith.muli %scan3A_304, %mul3A_305 : i32
        %add3A_307 = vector.broadcast %mul3A_306 : i32 to vector<16xi32>
        %add3A_308 = arith.addi %add3A_307, %iota3A : vector<16xi32>
        %mul3A_309 = arith.constant 16 : i32
        %mul3A_310 = arith.muli %scan3A_304, %mul3A_309 : i32
        %add3A_311 = arith.constant 128 : i32
        %add3A_312 = arith.addi %add3A_311, %mul3A_310 : i32
        %get3A = arith.index_cast %add3A_312 : i32 to index
        %get3A_313 = tpu.vector_load %arg6[%get3A] {strides = array<i32>} : memref<256xi32, #tpu.memory_space<vmem>>, vector<16xi32>,
        %shift_right_arithmetic3A = arith.constant 5 : i32
        %shift_right_arithmetic3A_314 = vector.broadcast %shift_right_arithmetic3A : i32 to vector<16xi32>
        %shift_right_arithmetic3A_315 = arith.shrsi %add3A_308, %shift_right_arithmetic3A_314 : vector<16xi32>
        %add3A_316 = arith.constant 4 : i32
        %add3A_317 = vector.broadcast %add3A_316 : i32 to vector<16xi32>
        %add3A_318 = arith.addi %add3A_317, %shift_right_arithmetic3A_315 : vector<16xi32>
        %and3A_319 = arith.constant 31 : i32
        %and3A_320 = vector.broadcast %and3A_319 : i32 to vector<16xi32>
        %and3A_321 = arith.andi %add3A_308, %and3A_320 : vector<16xi32>
        tpu.vector_store_idx %arg5[%add3A_318, %and3A_321, %get3A_313], %broadcast_in_dim3A_6 : memref<8x32x256xf32, #tpu.memory_space<vmem>>[vector<16xi32>, vector<16xi32>, vector<16xi32>], vector<16xf32>,
      }
      %scan3A_236 = arith.constant 8 : i32
      %scan3A_237 = arith.constant 0 : i32
      %scan3A_238 = arith.constant 0 : i32
      %scan3A_239 = arith.constant 8 : i32
      %scan3A_240 = arith.addi %scan3A_238, %scan3A_239 : i32
      %scan3A_241 = arith.constant 1 : i32
      scf.for %scan3A_304 = %scan3A_238 to %scan3A_240 step %scan3A_241  : i32 {
        %mul3A_305 = arith.constant 128 : i32
        %mul3A_306 = arith.muli %add3A_211, %mul3A_305 : i32
        %mul3A_307 = arith.constant 16 : i32
        %mul3A_308 = arith.muli %scan3A_304, %mul3A_307 : i32
        %add3A_309 = arith.addi %mul3A_306, %mul3A_308 : i32
        %get3A = arith.index_cast %add3A_309 : i32 to index
        %get3A_310 = tpu.vector_load %arg4[%get3A] {strides = array<i32>} : memref<5120xf32, #tpu.memory_space<vmem>>, vector<16xf32>,
        %jit3A_311 = arith.constant 9.99999997E-7 : f32
        %jit3A_312 = arith.constant 0.999998986 : f32
        %max3A = vector.broadcast %jit3A_311 : f32 to vector<16xf32>
        %max3A_313 = arith.maximumf %max3A, %get3A_310 : vector<16xf32>
        %min3A = vector.broadcast %jit3A_312 : f32 to vector<16xf32>
        %min3A_314 = arith.minimumf %min3A, %max3A_313 : vector<16xf32>
        %mul3A_315 = arith.constant 2.560000e+02 : f32
        %mul3A_316 = vector.broadcast %mul3A_315 : f32 to vector<16xf32>
        %mul3A_317 = arith.mulf %min3A_314, %mul3A_316 : vector<16xf32>
        %convert_element_type3A = arith.fptosi %mul3A_317 : vector<16xf32> to vector<16xi32>
        %jit3A_318 = arith.constant 0 : i32
        %jit3A_319 = arith.constant 255 : i32
        %max3A_320 = vector.broadcast %jit3A_318 : i32 to vector<16xi32>
        %max3A_321 = arith.maxsi %max3A_320, %convert_element_type3A : vector<16xi32>
        %min3A_322 = vector.broadcast %jit3A_319 : i32 to vector<16xi32>
        %min3A_323 = arith.minsi %min3A_322, %max3A_321 : vector<16xi32>
        %mul3A_324 = arith.constant 16 : i32
        %mul3A_325 = arith.muli %scan3A_304, %mul3A_324 : i32
        %add3A_326 = arith.constant 128 : i32
        %add3A_327 = arith.addi %add3A_326, %mul3A_325 : i32
        %swap3A = arith.index_cast %add3A_327 : i32 to index
        %swap3A_328 = tpu.vector_load %arg6[%swap3A] {strides = array<i32>} : memref<256xi32, #tpu.memory_space<vmem>>, vector<16xi32>,
        tpu.vector_store %arg6[%swap3A], %min3A_323 {strides = array<i32>} : memref<256xi32, #tpu.memory_space<vmem>>, vector<16xi32>,
        %mul3A_329 = arith.constant 16 : i32
        %mul3A_330 = arith.muli %scan3A_304, %mul3A_329 : i32
        %add3A_331 = vector.broadcast %mul3A_330 : i32 to vector<16xi32>
        %add3A_332 = arith.addi %add3A_331, %iota3A : vector<16xi32>
        %shift_right_arithmetic3A = arith.constant 5 : i32
        %shift_right_arithmetic3A_333 = vector.broadcast %shift_right_arithmetic3A : i32 to vector<16xi32>
        %shift_right_arithmetic3A_334 = arith.shrsi %add3A_332, %shift_right_arithmetic3A_333 : vector<16xi32>
        %add3A_335 = arith.constant 4 : i32
        %add3A_336 = vector.broadcast %add3A_335 : i32 to vector<16xi32>
        %add3A_337 = arith.addi %add3A_336, %shift_right_arithmetic3A_334 : vector<16xi32>
        %and3A_338 = arith.constant 31 : i32
        %and3A_339 = vector.broadcast %and3A_338 : i32 to vector<16xi32>
        %and3A_340 = arith.andi %add3A_332, %and3A_339 : vector<16xi32>
        tpu.vector_store_idx %arg5[%add3A_337, %and3A_340, %min3A_323], %broadcast_in_dim3A_4 : memref<8x32x256xf32, #tpu.memory_space<vmem>>[vector<16xi32>, vector<16xi32>, vector<16xi32>], vector<16xf32>,
      }
      %scan3A_242 = arith.constant 8 : i32
      %mul3A_243 = arith.constant 8 : i32
      %mul3A_244 = arith.muli %add3A, %mul3A_243 : i32
      %jit3A_245 = arith.constant 5 : i32
      %div3A_246 = arith.divsi %add3A_211, %jit3A_245 : i32
      %sign3A_247 = arith.constant 0 : i32
      %sign3A_248 = arith.cmpi sgt, %add3A_211, %sign3A_247 : i32
      %sign3A_249 = arith.extui %sign3A_248 : i1 to i32
      %sign3A_250 = arith.constant 0 : i32
      %sign3A_251 = arith.cmpi slt, %add3A_211, %sign3A_250 : i32
      %sign3A_252 = arith.extui %sign3A_251 : i1 to i32
      %sign3A_253 = arith.subi %sign3A_249, %sign3A_252 : i32
      %sign3A_254 = arith.constant 0 : i32
      %sign3A_255 = arith.cmpi sgt, %jit3A_245, %sign3A_254 : i32
      %sign3A_256 = arith.extui %sign3A_255 : i1 to i32
      %sign3A_257 = arith.constant 0 : i32
      %sign3A_258 = arith.cmpi slt, %jit3A_245, %sign3A_257 : i32
      %sign3A_259 = arith.extui %sign3A_258 : i1 to i32
      %sign3A_260 = arith.subi %sign3A_256, %sign3A_259 : i32
      %ne3A_261 = arith.cmpi ne, %sign3A_253, %sign3A_260 : i32
      %rem3A_262 = arith.remsi %add3A_211, %jit3A_245 : i32
      %ne3A_263 = arith.constant 0 : i32
      %ne3A_264 = arith.cmpi ne, %rem3A_262, %ne3A_263 : i32
      %and3A_265 = arith.andi %ne3A_261, %ne3A_264 : i1
      %sub3A_266 = arith.constant 1 : i32
      %sub3A_267 = arith.subi %div3A_246, %sub3A_266 : i32
      %select_n3A_268 = arith.select %and3A_265, %sub3A_267, %div3A_246 : i32
      %add3A_269 = arith.addi %mul3A_244, %select_n3A_268 : i32
      %jit3A_270 = arith.constant 5 : i32
      %eq3A_271 = arith.constant 0 : i32
      %eq3A_272 = arith.cmpi eq, %jit3A_270, %eq3A_271 : i32
      %jit3A_273 = arith.constant 1 : i32
      %select_n3A_274 = arith.select %eq3A_272, %jit3A_273, %jit3A_270 : i32
      %rem3A_275 = arith.remsi %add3A_211, %select_n3A_274 : i32
      %ne3A_276 = arith.constant 0 : i32
      %ne3A_277 = arith.cmpi ne, %rem3A_275, %ne3A_276 : i32
      %lt3A_278 = arith.constant 0 : i32
      %lt3A_279 = arith.cmpi slt, %rem3A_275, %lt3A_278 : i32
      %lt3A_280 = arith.constant 0 : i32
      %lt3A_281 = arith.cmpi slt, %select_n3A_274, %lt3A_280 : i32
      %ne3A_282 = arith.xori %lt3A_279, %lt3A_281 : i1
      %and3A_283 = arith.andi %ne3A_282, %ne3A_277 : i1
      %add3A_284 = arith.addi %rem3A_275, %select_n3A_274 : i32
      %select_n3A_285 = arith.select %and3A_283, %add3A_284, %rem3A_275 : i32
      %mul3A_286 = arith.constant 4 : i32
      %mul3A_287 = arith.muli %select_n3A_285, %mul3A_286 : i32
      %dma_start3A_288 = arith.constant 4 : i32
      %dma_start3A_289 = arith.constant 0 : i32
      %dma_start3A_290 = arith.constant 0 : i32
      %dma_start3A_291 = tpu.memref_slice %arg5[%dma_start3A_288, %dma_start3A_289, %dma_start3A_290] : memref<8x32x256xf32, #tpu.memory_space<vmem>> -> memref<4x32x256xf32, #tpu.memory_space<vmem>>
      %dma_start3A_292 = arith.constant 0 : i32
      %dma_start3A_293 = arith.constant 0 : i32
      %dma_start3A_294 = tpu.memref_slice %arg3[%add3A_269, %mul3A_287, %dma_start3A_292, %dma_start3A_293] : memref<256x20x32x256xf32, #tpu.memory_space<hbm>> -> memref<1x4x32x256xf32, #tpu.memory_space<hbm>>
      %dma_start3A_295 = tpu.memref_squeeze %dma_start3A_294 : memref<1x4x32x256xf32, #tpu.memory_space<hbm>> -> memref<4x32x256xf32, #tpu.memory_space<hbm>>
      %dma_start3A_296 = arith.constant 0 : i32
      %dma_start3A_297 = arith.constant 0 : i32
      %dma_start3A_298 = tpu.memref_slice %arg3[%add3A_269, %mul3A_287, %dma_start3A_296, %dma_start3A_297] : memref<256x20x32x256xf32, #tpu.memory_space<hbm>> -> memref<1x4x32x256xf32, #tpu.memory_space<hbm>>
      %dma_start3A_299 = tpu.memref_squeeze %dma_start3A_298 : memref<1x4x32x256xf32, #tpu.memory_space<hbm>> -> memref<4x32x256xf32, #tpu.memory_space<hbm>>
      %dma_start3A_300 = arith.constant 4 : i32
      %dma_start3A_301 = arith.constant 0 : i32
      %dma_start3A_302 = arith.constant 0 : i32
      %dma_start3A_303 = tpu.memref_slice %arg5[%dma_start3A_300, %dma_start3A_301, %dma_start3A_302] : memref<8x32x256xf32, #tpu.memory_space<vmem>> -> memref<4x32x256xf32, #tpu.memory_space<vmem>>
      tpu.enqueue_dma source(%dma_start3A_303 : memref<4x32x256xf32, #tpu.memory_space<vmem>>) target(%dma_start3A_299 : memref<4x32x256xf32, #tpu.memory_space<hbm>>) target_semaphore(%arg9 : memref<!tpu.dma_semaphore, #tpu.memory_space<semaphore_mem>>)
    }
    %scan3A_82 = arith.constant 19 : i32
    %dma_wait3A_83 = arith.constant 0 : i32
    %dma_wait3A_84 = arith.constant 0 : i32
    %dma_wait3A_85 = arith.constant 0 : i32
    %dma_wait3A_86 = arith.constant 0 : i32
    %dma_wait3A_87 = tpu.memref_slice %arg5[%dma_wait3A_84, %dma_wait3A_85, %dma_wait3A_86] : memref<8x32x256xf32, #tpu.memory_space<vmem>> -> memref<4x32x256xf32, #tpu.memory_space<vmem>>
    %dma_wait3A_88 = arith.constant 0 : i32
    %dma_wait3A_89 = arith.constant 0 : i32
    %dma_wait3A_90 = arith.constant 0 : i32
    %dma_wait3A_91 = tpu.memref_slice %arg3[%dma_wait3A_83, %dma_wait3A_88, %dma_wait3A_89, %dma_wait3A_90] : memref<256x20x32x256xf32, #tpu.memory_space<hbm>> -> memref<1x4x32x256xf32, #tpu.memory_space<hbm>>
    %dma_wait3A_92 = tpu.memref_squeeze %dma_wait3A_91 : memref<1x4x32x256xf32, #tpu.memory_space<hbm>> -> memref<4x32x256xf32, #tpu.memory_space<hbm>>
    %dma_wait3A_93 = arith.constant 0 : i32
    %dma_wait3A_94 = arith.constant 0 : i32
    %dma_wait3A_95 = arith.constant 0 : i32
    %dma_wait3A_96 = tpu.memref_slice %arg3[%dma_wait3A_83, %dma_wait3A_93, %dma_wait3A_94, %dma_wait3A_95] : memref<256x20x32x256xf32, #tpu.memory_space<hbm>> -> memref<1x4x32x256xf32, #tpu.memory_space<hbm>>
    %dma_wait3A_97 = tpu.memref_squeeze %dma_wait3A_96 : memref<1x4x32x256xf32, #tpu.memory_space<hbm>> -> memref<4x32x256xf32, #tpu.memory_space<hbm>>
    %dma_wait3A_98 = arith.constant 0 : i32
    %dma_wait3A_99 = arith.constant 0 : i32
    %dma_wait3A_100 = arith.constant 0 : i32
    %dma_wait3A_101 = tpu.memref_slice %arg5[%dma_wait3A_98, %dma_wait3A_99, %dma_wait3A_100] : memref<8x32x256xf32, #tpu.memory_space<vmem>> -> memref<4x32x256xf32, #tpu.memory_space<vmem>>
    tpu.wait_dma2 semaphore(%arg8 : memref<!tpu.dma_semaphore, #tpu.memory_space<semaphore_mem>>) src(%dma_wait3A_101 : memref<4x32x256xf32, #tpu.memory_space<vmem>>) dst(%dma_wait3A_97 : memref<4x32x256xf32, #tpu.memory_space<hbm>>)
    %dma_wait3A_102 = arith.constant 0 : i32
    %dma_wait3A_103 = arith.constant 4 : i32
    %dma_wait3A_104 = arith.constant 0 : i32
    %dma_wait3A_105 = arith.constant 0 : i32
    %dma_wait3A_106 = tpu.memref_slice %arg5[%dma_wait3A_103, %dma_wait3A_104, %dma_wait3A_105] : memref<8x32x256xf32, #tpu.memory_space<vmem>> -> memref<4x32x256xf32, #tpu.memory_space<vmem>>
    %dma_wait3A_107 = arith.constant 0 : i32
    %dma_wait3A_108 = arith.constant 0 : i32
    %dma_wait3A_109 = arith.constant 0 : i32
    %dma_wait3A_110 = tpu.memref_slice %arg3[%dma_wait3A_102, %dma_wait3A_107, %dma_wait3A_108, %dma_wait3A_109] : memref<256x20x32x256xf32, #tpu.memory_space<hbm>> -> memref<1x4x32x256xf32, #tpu.memory_space<hbm>>
    %dma_wait3A_111 = tpu.memref_squeeze %dma_wait3A_110 : memref<1x4x32x256xf32, #tpu.memory_space<hbm>> -> memref<4x32x256xf32, #tpu.memory_space<hbm>>
    %dma_wait3A_112 = arith.constant 0 : i32
    %dma_wait3A_113 = arith.constant 0 : i32
    %dma_wait3A_114 = arith.constant 0 : i32
    %dma_wait3A_115 = tpu.memref_slice %arg3[%dma_wait3A_102, %dma_wait3A_112, %dma_wait3A_113, %dma_wait3A_114] : memref<256x20x32x256xf32, #tpu.memory_space<hbm>> -> memref<1x4x32x256xf32, #tpu.memory_space<hbm>>
    %dma_wait3A_116 = tpu.memref_squeeze %dma_wait3A_115 : memref<1x4x32x256xf32, #tpu.memory_space<hbm>> -> memref<4x32x256xf32, #tpu.memory_space<hbm>>
    %dma_wait3A_117 = arith.constant 4 : i32
    %dma_wait3A_118 = arith.constant 0 : i32
    %dma_wait3A_119 = arith.constant 0 : i32
    %dma_wait3A_120 = tpu.memref_slice %arg5[%dma_wait3A_117, %dma_wait3A_118, %dma_wait3A_119] : memref<8x32x256xf32, #tpu.memory_space<vmem>> -> memref<4x32x256xf32, #tpu.memory_space<vmem>>
    tpu.wait_dma2 semaphore(%arg9 : memref<!tpu.dma_semaphore, #tpu.memory_space<semaphore_mem>>) src(%dma_wait3A_120 : memref<4x32x256xf32, #tpu.memory_space<vmem>>) dst(%dma_wait3A_116 : memref<4x32x256xf32, #tpu.memory_space<hbm>>)
    return
  }
}

</mosaic_0001>

<sc_bundles>
// kernel: kernel.3.cloned.1.call-start
scs
__scs_entry_jumppad:
0x0: {  	(pc) =	sbr.rel $0x88, $3  }
0x1: {  	(tag) =	ssettag $0x0;
	lr =	simm.s32 $0x1  }
0x2: {  	[smem:$0x3FA0] =	sst lr;
	_ =	strace $0xD0000000  }
0x3: {  	_ = 	snop  }
0x4: {  	_ = 	snop  }
0x5: {  	_ = 	snop  }
0x6: {  	_ = 	snop  }
0x7: {  	_ = 	snop  }
__scs_overlays_trampoline_lowered:
0x8: {  	[smem:$0x3FAF] =	sst s0  }
0x9: {  	[smem:$0x3FB0] =	sst s1  }
0xa: {  	[smem:$0x3FB1] =	sst s2  }
0xb: {  	[smem:$0x3FB2] =	sst s3  }
0xc: {  	[smem:$0x3FB3] =	sst s4  }
0xd: {  	[smem:$0x3FB4] =	sst s5  }
0xe: {  	[smem:$0x3FB5] =	sst s6  }
0xf: {  	[smem:$0x3FB6] =	sst s7  }
0x10: {  	[smem:$0x3FB7] =	sst s8  }
0x11: {  	[smem:$0x3FB8] =	sst s9;
	s0 =	simm.s32 @!p0 $0x0  }
0x12: {  	s1 =	sld [smem:$0x3F9E];
	s0 =	simm.s32 @p0 $0x1  }
0x13: {  	[smem:$0x3FB9] =	sst s0;
	s0 =	simm.s32 @!p1 $0x0  }
0x14: {  	s2 =	sld [smem:$0x3F9D];
	s0 =	simm.s32 @p1 $0x1  }
0x15: {  	[smem:$0x3FBA] =	sst s0;
	s0 =	simm.s32 @!p2 $0x0  }
0x16: {  	s3 =	sld [smem:$0x3FDB];
	s0 =	simm.s32 @p2 $0x1  }
0x17: {  	s4 =	simm.s32 $0x1BF5;
	[smem:$0x3FBC] =	sst s0  }
0x18: {  	s0 =	sld [smem:$0x3F9F];
	_ =	swait.ge [sflag:s4], $0x0  }
0x19: {  	s7 =	sld [smem:$0x3FA0]  }
0x1a: {  	s8 =	sadd.s32 $0xFFFFE003, lr  }
0x1b: {  	s9 =	sadd.s32 $0xFFFFFEF7, lr;
	s5 =	simm.s32 $0xFFFFFFFF;
	p2 =	slt.u32 s8, $0xFFFFF086  }
0x1c: {  	p1 =	slt.u32 s9, $0xF7A;
	s5 =	simm.s32 @!p2 $0x0  }
0x1d: {  	s5 =	simm.s32 @p1 $0x1;
	p0 =	seq.s32 s7, s2  }
0x1e: {  	s7 =	smul.u32 @!p0 $0xF7A, s2;
	p2 =	seq.s32 @!p0 s5, $0x0  }
0x1f: {  	s9 =	smul.u32 $0xF7A, s1;
	s8 =	simm.s32 @!p0 $0x1BF5;
	p2 =	por !p2, p0  }
0x20: {  	[sflag:s8] =	ssyncset.s32 @!p0 $0xFFFFF086;
	s6 =	sadd.s32 @!p0 s3, s7;
	s7 =	simm.s32 @!p0 $0x108  }
0x21: {  	s3 =	sadd.s32 s3, s9;
	s6 =	sadd.s32 @!p0 $0x88, s6;
	s7 =	simm.s32 @p2 $0x1082  }
0x22: {  	[simem:s7], [sflag:s8] =	dma.local @!p0 [hbm:s6], $0xF7A  }
0x23: {  	s9 =	sor.u32 $0xD0000000, s2;
	s6 =	simm.s32 $0x108;
	_ =	swait.ge @!p0 [sflag:s8], $0x0  }
0x24: {  	s3 =	sadd.s32 $0x88, s3;
	s6 =	simm.s32 @!p1 $0x1082;
	[sflag:s4] =	ssyncset.s32 $0xFFFFF086  }
0x25: {  	[simem:s6], [sflag:s4] =	dma.local [hbm:s3], $0xF7A  }
0x26: {  	[smem:$0x3FA0] =	sst s1;
	(tag) =	ssettag s2;
	_ =	strace s9  }
0x27: {  	s1 =	sld [smem:$0x3FB0]  }
0x28: {  	s2 =	sld [smem:$0x3FB1]  }
0x29: {  	s4 =	sld [smem:$0x3FB3]  }
0x2a: {  	p0 =	seq.s32 s5, $0x0;
	s5 =	sld [smem:$0x3FB4]  }
0x2b: {  	s6 =	sld [smem:$0x3FB5]  }
0x2c: {  	s7 =	sld [smem:$0x3FB6]  }
0x2d: {  	s3 =	simm.s32 $0x108;
	s8 =	sld [smem:$0x3FB7]  }
0x2e: {  	s3 =	simm.s32 @!p0 $0x1082;
	s9 =	sld [smem:$0x3FB8]  }
0x2f: {  	lr =	sadd.s32 s0, s3;
	s0 =	sld [smem:$0x3FAF]  }
0x30: {  	s3 =	sld [smem:$0x3FB2]  }
0x31: {  	[smem:$0x3FBB] =	sst s10  }
0x32: {  	s10 =	sld [smem:$0x3FB9];
	_ =	sdelay $0x3  }
0x33: {  	p0 =	seq.s32 s10, $0x1;
	s10 =	sld [smem:$0x3FBB];
	_ =	sdelay $0x3  }
0x34: {  	[smem:$0x3FBB] =	sst s10  }
0x35: {  	s10 =	sld [smem:$0x3FBA];
	_ =	sdelay $0x3  }
0x36: {  	p1 =	seq.s32 s10, $0x1;
	s10 =	sld [smem:$0x3FBB];
	_ =	sdelay $0x3  }
0x37: {  	[smem:$0x3FBB] =	sst s10  }
0x38: {  	s10 =	sld [smem:$0x3FBC]  }
0x39: {  	_ = 	snop;
	(pc) =	sbr.ind lr, $3  }
0x3a: {  	_ = 	snop  }
0x3b: {  	_ = 	snop  }
0x3c: {  	p2 =	seq.s32 s10, $0x1;
	s10 =	sld [smem:$0x3FBB]  }
0x3d: {  	_ =	shalt  }
0x3e: {  	_ =	shalt  }
0x3f: {  	_ =	shalt  }
0x40: {  	_ =	shalt  }
0x41: {  	_ =	shalt  }
0x42: {  	_ =	shalt  }
0x43: {  	_ =	shalt  }
0x44: {  	_ =	shalt  }
0x45: {  	_ =	shalt  }
0x46: {  	_ =	shalt  }
0x47: {  	_ =	shalt  }
0x48: {  	_ =	shalt  }
0x49: {  	_ =	shalt  }
0x4a: {  	_ =	shalt  }
0x4b: {  	_ =	shalt  }
0x4c: {  	_ =	shalt  }
0x4d: {  	_ =	shalt  }
0x4e: {  	_ =	shalt  }
0x4f: {  	_ =	shalt  }
0x50: {  	_ =	shalt  }
0x51: {  	_ =	shalt  }
0x52: {  	_ =	shalt  }
0x53: {  	_ =	shalt  }
0x54: {  	_ =	shalt  }
0x55: {  	_ =	shalt  }
0x56: {  	_ =	shalt  }
0x57: {  	_ =	shalt  }
0x58: {  	_ =	shalt  }
0x59: {  	_ =	shalt  }
0x5a: {  	_ =	shalt  }
0x5b: {  	_ =	shalt  }
0x5c: {  	_ =	shalt  }
0x5d: {  	_ =	shalt  }
0x5e: {  	_ =	shalt  }
0x5f: {  	_ =	shalt  }
0x60: {  	_ =	shalt  }
0x61: {  	_ =	shalt  }
0x62: {  	_ =	shalt  }
0x63: {  	_ =	shalt  }
0x64: {  	_ =	shalt  }
0x65: {  	_ =	shalt  }
0x66: {  	_ =	shalt  }
0x67: {  	_ =	shalt  }
0x68: {  	_ =	shalt  }
0x69: {  	_ =	shalt  }
0x6a: {  	_ =	shalt  }
0x6b: {  	_ =	shalt  }
0x6c: {  	_ =	shalt  }
0x6d: {  	_ =	shalt  }
0x6e: {  	_ =	shalt  }
0x6f: {  	_ =	shalt  }
0x70: {  	_ =	shalt  }
0x71: {  	_ =	shalt  }
0x72: {  	_ =	shalt  }
0x73: {  	_ =	shalt  }
0x74: {  	_ =	shalt  }
0x75: {  	_ =	shalt  }
0x76: {  	_ =	shalt  }
0x77: {  	_ =	shalt  }
0x78: {  	_ =	shalt  }
0x79: {  	_ =	shalt  }
0x7a: {  	_ =	shalt  }
0x7b: {  	_ =	shalt  }
0x7c: {  	_ =	shalt  }
0x7d: {  	_ =	shalt  }
0x7e: {  	_ =	shalt  }
0x7f: {  	_ =	shalt  }
0x80: {  	_ =	shalt  }
0x81: {  	_ =	shalt  }
0x82: {  	_ =	shalt  }
0x83: {  	_ =	shalt  }
0x84: {  	_ =	shalt  }
0x85: {  	_ =	shalt  }
0x86: {  	_ =	shalt  }
0x87: {  	_ =	shalt  }
.Lfunc_end0:
.L_simem_size_0:
called_computation_lowered:
.L_overlay_start_0:
0x88: {  	s2 =	sld [smem:$0x3FD9]  }
0x89: {  	s3 =	sld [smem:$0x3FFE];
	_ =	sdelay $0x1  }
0x8a: {  	s1 =	srdreg.scid  }
0x8b: {  	s0 =	sand.u32 $0x1, s1  }
0x8c: {  	s14 =	sshll.u32 s0, $0xA;
	s2 =	sadd.s32 s3, s2  }
0x8d: {  	s2 =	sadd.s32 s2, s14  }
0x8e: {  	[smem:$0x3FC7] =	sst s2  }
0x8f: {  	_ = 	snop  }
0x90: {  	s2 =	sld [smem:$0x3FD0];
	_ =	sdelay $0x2  }
0x91: {  	s15 =	simm.s32 $0xA;
	s4 =	simm.s32 $0x10  }
0x92: {  	[smem:s4], [sflag:s15] =	dma.local [hbm:s2], $0x1  }
0x93: {  	_ =	swait.eq [sflag:s15], $0x1  }
0x94: {  	[sflag:s15] =	ssyncset.done $0x0  }
0x95: {  	[sflag:s15] =	ssyncadd.s32 $0xFFFFFFFF  }
0x96: {  	s16 =	sld [smem:$0x10];
	(tm) =	ssettm $0x1  }
0x97: {  	s17 =	sld [smem:$0x3FFB];
	_ =	sdelay $0x3  }
0x98: {  	_ =	strace s17  }
0x99: {  	s3 =	sld [smem:$0x3FFC];
	_ =	sdelay $0x3  }
0x9a: {  	_ =	strace s3  }
0x9b: {  	s3 =	sld [smem:$0x3FFD];
	_ =	sdelay $0x3  }
0x9c: {  	_ =	strace s3  }
0x9d: {  	_ =	strace $0x8FFFFFFF  }
0x9e: {  	s18 =	sld [smem:$0x3FDB];
	_ =	sdelay $0x1  }
0x9f: {  	s19 =	simm.s32 $_scs_section_size  }
0xa0: {  	s5 =	simm.s32 $_size__tile_overlayer_lowered;
	s6 =	simm.s32 $_tile_overlayer_lowered  }
0xa1: {  	s22 =	simm.s32 $0x1BFF;
	s21 =	sshll.u32 s6, $0x1;
	s3 =	sadd.s32 s19, s18  }
0xa2: {  	s7 =	simm.s32 $0x0;
	s20 =	sshll.u32 s5, $0x1;
	s5 =	sadd.s32 s21, s3  }
0xa3: {  	[timem:s7], [sflag:s22] =	dma.local [hbm:s5], s20  }
0xa4: {  	_ =	swait.ge [sflag:s22], s20  }
0xa5: {  	s4 =	ssub.s32 $0x0, s20;
	[sflag:s22] =	ssyncset.done $0x0  }
0xa6: {  	[sflag:s22] =	ssyncadd.s32 s4;
	_ =	sdelay $0x1  }
0xa7: {  	s23 =	simm.s32 $0x1B8B  }
0xa8: {  	_ =	swait.ge [sflag:s23], $0x1  }
0xa9: {  	[sflag:s23] =	ssyncset.done $0x0  }
0xaa: {  	s25 =	simm.s32 $0x1B8E;
	s24 =	sld [smem:$0x3FFE];
	[sflag:s23] =	ssyncadd.s32 $0xFFFFFFFF  }
0xab: {  	s26 =	simm.s32 $execute0_lowered;
	[smem:$0x3FD2] =	sst s25  }
0xac: {  	s5 =	sshll.u32 s26, $0x1;
	_ =	strace $0x80000046;
	[dreg:$0x1] =	wrdreg $0xFFFFFFFF  }
0xad: {  	s28 =	simm.s32 $_size_execute0_lowered;
	s3 =	sadd.s32 s3, s5;
	[dreg:$0x0] =	wrdreg $0x0  }
0xae: {  	s5 =	sshll.u32 s28, $0x1;
	[dreg:$0x2] =	wrdreg s3  }
0xaf: {  	[dreg:$0x3] =	wrdreg s5  }
0xb0: {  	[dreg:$0x4] =	wrdreg $0xC0  }
0xb1: {  	_ =	task [dreg:s7], $0x5FFFF  }
0xb2: {  	[dreg:$0x1] =	wrdreg $0xFFFFFFFF  }
0xb3: {  	[dreg:$0x0] =	wrdreg $0x60  }
0xb4: {  	[dreg:$0x2] =	wrdreg s24  }
0xb5: {  	[dreg:$0x3] =	wrdreg s16  }
0xb6: {  	[dreg:$0x4] =	wrdreg $0x9  }
0xb7: {  	_ =	task.clear_ibuf [dreg:s7], $0x5FFFF;
	_ =	strace $0x90000046  }
0xb8: {  	s29 =	simm.s32 $0x9;
	_ =	strace $0x80000048  }
0xb9: {  	_ =	swait.ge [sflag:s29], $0x1  }
0xba: {  	[sflag:s29] =	ssyncadd.s32 $0xFFFFFFFF  }
0xbb: {  	_ =	strace $0x90000048  }
0xbc: {  	_ =	sfence  }
0xbd: {  	s30 =	sld [smem:$0x0];
	_ =	sdelay $0x2  }
0xbe: {  	s31 =	sshll.u32 s1, $0xD;
	s1 =	sshrl.u32 s1, $0x2  }
0xbf: {  	s3 =	sand.u32 $0x4000, s31;
	s1 =	sadd.s32 s1, s30  }
0xc0: {  	s0 =	sor.u32 s3, s0;
	s1 =	sshll.u32 s1, $0x11  }
0xc1: {  	s0 =	sor.u32 s1, s0  }
0xc2: {  	s0 =	sadd.s32 $0x8F2B, s0  }
0xc3: {  	[sflag:s0] =	ssyncadd.remote.s32 $0x1  }
0xc4: {  	_ =	sfence.sel $0xFFFF  }
0xc5: {  	[dreg:$0x0] =	wrdreg $0xFFFFFFFF;
	(pc) =	sbr.abs _section_cstart, $3  }
0xc6: {  	[dreg:$0x1] =	wrdreg $0xFFFFFFFF  }
0xc7: {  	_ =	task.clear_ibuf [dreg:s7], $0x2FFFF;
	_ =	strace $0x9FFFFFFF  }
0xc8: {  	(tm) =	ssettm $0x7FFFFFFF  }
0xc9: {  	_ =	shalt  }
tec
execute0_lowered:
.L_overlay_start_1:
0x0: {  	(tag) =	ssettag $0x1  }
0x1: {  	s1 =	srdreg.scid;
	s4 =	rddreg [dreg:$0x0]  }
0x2: {  	s0 =	stileid.u32;
	s2 =	rddreg [dreg:$0x1]  }
0x3: {  	s3 =	simm.s32 $0x0;
	s10 =	simm.s32 $0x1400;
	s11 =	simm.s32 $0x9400  }
0x4: {  	s12 =	simm.s32 $0x2;
	s5 =	sand.u32 $0x1, s1;
	s30 =	sshll.u32 s0, $0x1  }
0x5: {  	s13 =	simm.s32 $0x3;
	s14 =	simm.s32 $0x0;
	s6 =	sor.u32 s5, s30  }
0x6: {  	v2 =	vlaneseq.u32;
	s1 =	rddreg [dreg:$0x2];
	s5 =	ssub.s32 $0x2, s5;
	s7 =	smul.u32 $0x280, s6  }
0x7: {  	[smem:$0x7FF] =	sst s3;
	v0 =	vand.u32 $0x7, v2;
	s8 =	smul.u32 $0x28000, s6;
	s31 =	sshrl.u32 s5, $0x1  }
0x8: {  	_ =	strace $0x80000047;
	v0 =	vmul.u32 $0x80, v0;
	s6 =	sshll.u32 s6, $0x3;
	s9 =	ssub.s32 s5, s31  }
0x9: {  	v1 =	vimm.f32 $0.0e+00;
	s4 =	sadd.s32 s7, s4;
	s5 =	sadd.s32 s2, s8;
	s8 =	smax.u32 s9, $0x1  }
0xa: {  	v3 =	vimm.f32 $1.000000000e+00;
	v2 =	vmul.u32 $0x100, v2;
	v4 =	vor.u32 $0x8000, v0;
	s9 =	simm.s32 $0x1;
	s4 =	sadd.s32 $0x400, s4;
	s7 =	sadd.s32 $0x1000, s5  }
.LBB2_1:
0xb: {  	[tilespmem:s3], [sflag:$0x1] =	stream.linear.gather [hbm4b:s4+s3], $0x1400, $0x38;
	[tilespmem:$0x11500] =	vst v63  }
0xc: {  	s15 =	sand.u32 $0x7800, s3;
	s16 =	sand.u32 $0x380, s3  }
0xd: {  	s15 =	sor.u32 s16, s15  }
0xe: {  	[tilespmem:s15+$0x1870] =	vst v1  }
0xf: {  	[tilespmem:s15+$0x1400] =	vst v1  }
0x10: {  	[tilespmem:s15+$0x1410] =	vst v1  }
0x11: {  	[tilespmem:s15+$0x1420] =	vst v1  }
0x12: {  	[tilespmem:s15+$0x1430] =	vst v1  }
0x13: {  	[tilespmem:s15+$0x1440] =	vst v1  }
0x14: {  	[tilespmem:s15+$0x1450] =	vst v1  }
0x15: {  	[tilespmem:s15+$0x1460] =	vst v1  }
0x16: {  	[tilespmem:s15+$0x1470] =	vst v1  }
0x17: {  	[tilespmem:s15+$0x1800] =	vst v1  }
0x18: {  	[tilespmem:s15+$0x1810] =	vst v1  }
0x19: {  	[tilespmem:s15+$0x1820] =	vst v1  }
0x1a: {  	[tilespmem:s15+$0x1830] =	vst v1  }
0x1b: {  	s17 =	simm.s32 $0x80;
	s16 =	simm.s32 $0x100;
	[tilespmem:s15+$0x1840] =	vst v1  }
0x1c: {  	s19 =	sand.u32 $0x380, s17;
	s17 =	simm.s32 $0x100;
	s18 =	sand.u32 $0x7800, s16;
	[tilespmem:s15+$0x1850] =	vst v1  }
.LBB2_2:
0x1d: {  	p0 =	sne.s32 s17, $0x3F80;
	[tilespmem:s15+$0x1860] =	vst v1;
	s15 =	sor.u32 s19, s18  }
0x1e: {  	[tilespmem:s15+$0x1870] =	vst v1  }
0x1f: {  	[tilespmem:s15+$0x1400] =	vst v1  }
0x20: {  	[tilespmem:s15+$0x1410] =	vst v1  }
0x21: {  	[tilespmem:s15+$0x1420] =	vst v1  }
0x22: {  	[tilespmem:s15+$0x1430] =	vst v1  }
0x23: {  	[tilespmem:s15+$0x1440] =	vst v1  }
0x24: {  	[tilespmem:s15+$0x1450] =	vst v1  }
0x25: {  	[tilespmem:s15+$0x1460] =	vst v1  }
0x26: {  	[tilespmem:s15+$0x1470] =	vst v1  }
0x27: {  	[tilespmem:s15+$0x1800] =	vst v1  }
.Ltmp0:
0x28: {  	[tilespmem:s15+$0x1810] =	vst v1;
	(pc) =	sbr.rel @p0 .LBB2_2-.Ltmp0, $4  }
0x29: {  	[tilespmem:s15+$0x1820] =	vst v1  }
0x2a: {  	[tilespmem:s15+$0x1830] =	vst v1  }
0x2b: {  	s16 =	sadd.s32 $0x100, s16;
	[tilespmem:s15+$0x1840] =	vst v1  }
0x2c: {  	s19 =	sand.u32 $0x380, s17;
	s17 =	sadd.s32 $0x80, s17;
	s18 =	sand.u32 $0x7800, s16;
	[tilespmem:s15+$0x1850] =	vst v1  }
0x2d: {  	s16 =	sor.u32 s19, s18;
	[tilespmem:s15+$0x1860] =	vst v1  }
0x2e: {  	[tilespmem:s16+$0x1870] =	vst v1  }
0x2f: {  	[tilespmem:s16+$0x1400] =	vst v1  }
0x30: {  	[tilespmem:s16+$0x1410] =	vst v1  }
0x31: {  	[tilespmem:s16+$0x1420] =	vst v1  }
0x32: {  	[tilespmem:s16+$0x1430] =	vst v1  }
0x33: {  	[tilespmem:s16+$0x1440] =	vst v1  }
0x34: {  	[tilespmem:s16+$0x1450] =	vst v1  }
0x35: {  	[tilespmem:s16+$0x1460] =	vst v1  }
0x36: {  	[tilespmem:s16+$0x1470] =	vst v1  }
0x37: {  	[tilespmem:s16+$0x1800] =	vst v1  }
0x38: {  	[tilespmem:s16+$0x1810] =	vst v1  }
0x39: {  	[tilespmem:s16+$0x1820] =	vst v1  }
0x3a: {  	[tilespmem:s16+$0x1830] =	vst v1  }
0x3b: {  	[tilespmem:s16+$0x1840] =	vst v1  }
0x3c: {  	[tilespmem:s16+$0x1850] =	vst v1  }
0x3d: {  	[tilespmem:s16+$0x1860] =	vst v1  }
0x3e: {  	_ =	swait.ge [sflag:s9], $0x1400  }
0x3f: {  	[sflag:s9] =	ssyncset.done $0x0  }
0x40: {  	s31 =	simm.s32 $0x0;
	[sflag:s9] =	ssyncadd.s32 $0xFFFFEC00  }
0x41: {  	v5 =	vld [tilespmem:s31+$0x0];
	_ =	sdelay $0x4  }
0x42: {  	v5 =	vmax.f32 v5, $9.999999970e-07  }
0x43: {  	v5 =	vmin.f32 v5, $9.999989860e-01  }
0x44: {  	v5 =	vmul.f32 $2.560000000e+02, v5;
	_ =	sdelay $0x1  }
0x45: {  	v5 =	vtrunc.f32 v5  }
0x46: {  	v5 =	vcvt.f32.s32 v5  }
0x47: {  	v6 =	vmov s31  }
0x48: {  	v6 =	vshll.u32 v6, $0x8;
	vm0 =	vgt.s32 v5, $0x0  }
0x49: {  	v7 =	vor.u32 v2, v6;
	v5 =	vnsel vm0, $0x0, v5  }
0x4a: {  	v6 =	vand.u32 $0x6000, v6;
	v7 =	vand.u32 $0x1800, v7;
	v5 =	vmin.u32 v5, $0xFF  }
0x4b: {  	v6 =	vor.u32 v7, v6;
	v8 =	vand.u32 $0x7F, v5;
	v7 =	vshll.u32 v5, $0x3  }
0x4c: {  	v7 =	vand.u32 $0x400, v7;
	v6 =	vor.u32 v8, v6  }
0x4d: {  	v6 =	vor.u32 v7, v6  }
0x4e: {  	v6 =	vor.u32 v0, v6;
	_ =	sdelay $0x2  }
0x4f: {  	s15 =	simm.s32 $0x11400  }
0x50: {  	[tilespmem:s15+$0x0] =	vst v5  }
0x51: {  	s16 =	simm.s32 $0x10;
	[tilespmem:v6+s10+$0x0] =	vst.idx.msk $0xffff, v3  }
0x52: {  	s17 =	simm.s32 $0x20;
	s18 =	simm.s32 $0x10;
	v5 =	vld [tilespmem:s16+$0x0]  }
.LBB2_4:
0x53: {  	p0 =	sne.s32 s17, $0x70;
	_ =	sdelay $0x3  }
0x54: {  	v5 =	vmax.f32 v5, $9.999999970e-07  }
0x55: {  	v5 =	vmin.f32 v5, $9.999989860e-01  }
0x56: {  	v5 =	vmul.f32 $2.560000000e+02, v5;
	_ =	sdelay $0x1  }
0x57: {  	v5 =	vtrunc.f32 v5  }
0x58: {  	v5 =	vcvt.f32.s32 v5  }
0x59: {  	v6 =	vmov s16;
	s16 =	smov.u32 s17  }
0x5a: {  	v6 =	vshll.u32 v6, $0x8;
	vm0 =	vgt.s32 v5, $0x0  }
0x5b: {  	v7 =	vor.u32 v2, v6;
	v5 =	vnsel vm0, $0x0, v5  }
0x5c: {  	s15 =	sadd.s32 $0x10, s15;
	v6 =	vand.u32 $0x6000, v6;
	v7 =	vand.u32 $0x1800, v7;
	v5 =	vmin.u32 v5, $0xFF  }
0x5d: {  	v6 =	vor.u32 v7, v6;
	[tilespmem:s15+$0x0] =	vst v5;
	v8 =	vand.u32 $0x7F, v5;
	v5 =	vshll.u32 v5, $0x3  }
0x5e: {  	v5 =	vand.u32 $0x400, v5;
	v6 =	vor.u32 v8, v6  }
0x5f: {  	v5 =	vor.u32 v5, v6  }
0x60: {  	v5 =	vor.u32 v0, v5;
	_ =	sdelay $0x1  }
.Ltmp1:
0x61: {  	(pc) =	sbr.rel @p0 .LBB2_4-.Ltmp1, $3  }
0x62: {  	_ =	sdelay $0x1  }
0x63: {  	s18 =	sadd.s32 $0x10, s18;
	[tilespmem:v5+s10+$0x0] =	vst.idx.msk $0xffff, v3  }
0x64: {  	s17 =	sadd.s32 $0x10, s17;
	v5 =	vld [tilespmem:s18+$0x0]  }
0x65: {  	_ =	sdelay $0x3  }
0x66: {  	v5 =	vmax.f32 v5, $9.999999970e-07  }
0x67: {  	v5 =	vmin.f32 v5, $9.999989860e-01  }
0x68: {  	v5 =	vmul.f32 $2.560000000e+02, v5;
	_ =	sdelay $0x1  }
0x69: {  	v5 =	vtrunc.f32 v5  }
0x6a: {  	v5 =	vcvt.f32.s32 v5  }
0x6b: {  	v6 =	vmov s16  }
0x6c: {  	v6 =	vshll.u32 v6, $0x8;
	vm0 =	vgt.s32 v5, $0x0  }
0x6d: {  	v7 =	vor.u32 v2, v6;
	v5 =	vnsel vm0, $0x0, v5  }
0x6e: {  	v6 =	vand.u32 $0x6000, v6;
	v7 =	vand.u32 $0x1800, v7;
	v5 =	vmin.u32 v5, $0xFF  }
0x6f: {  	v6 =	vor.u32 v7, v6;
	v8 =	vand.u32 $0x7F, v5;
	v7 =	vshll.u32 v5, $0x3  }
0x70: {  	v7 =	vand.u32 $0x400, v7;
	v6 =	vor.u32 v8, v6  }
0x71: {  	v6 =	vor.u32 v7, v6  }
0x72: {  	v6 =	vor.u32 v0, v6;
	_ =	sdelay $0x1  }
0x73: {  	s15 =	sadd.s32 $0x10, s15  }
0x74: {  	[tilespmem:s15+$0x0] =	vst v5;
	s15 =	simm.s32 $0x0  }
0x75: {  	s31 =	sand.u32 $0x7800, s15;
	s17 =	sand.u32 $0x380, s15  }
0x76: {  	s16 =	sor.u32 s17, s31;
	[tilespmem:v6+s10+$0x0] =	vst.idx.msk $0xffff, v3  }
0x77: {  	[hbm4b:s5+s15] =	stream.linear.scatter [tilespmem:s10], [sflag:$0x2], $0x8000, $0x38;
	[tilespmem:$0x11500] =	vst v63  }
0x78: {  	[tilespmem:s16+$0x9870] =	vst v1  }
0x79: {  	[tilespmem:s16+$0x9400] =	vst v1  }
0x7a: {  	[tilespmem:s16+$0x9410] =	vst v1  }
0x7b: {  	[tilespmem:s16+$0x9420] =	vst v1  }
0x7c: {  	[tilespmem:s16+$0x9430] =	vst v1  }
0x7d: {  	[tilespmem:s16+$0x9440] =	vst v1  }
0x7e: {  	[tilespmem:s16+$0x9450] =	vst v1  }
0x7f: {  	[tilespmem:s16+$0x9460] =	vst v1  }
0x80: {  	[tilespmem:s16+$0x9470] =	vst v1  }
0x81: {  	[tilespmem:s16+$0x9800] =	vst v1  }
0x82: {  	[tilespmem:s16+$0x9810] =	vst v1  }
0x83: {  	[tilespmem:s16+$0x9820] =	vst v1  }
0x84: {  	[tilespmem:s16+$0x9830] =	vst v1  }
0x85: {  	s18 =	simm.s32 $0x80;
	s17 =	simm.s32 $0x100;
	[tilespmem:s16+$0x9840] =	vst v1  }
0x86: {  	s20 =	sand.u32 $0x380, s18;
	s18 =	simm.s32 $0x100;
	s19 =	sand.u32 $0x7800, s17;
	[tilespmem:s16+$0x9850] =	vst v1  }
.LBB2_6:
0x87: {  	p0 =	sne.s32 s18, $0x3F80;
	[tilespmem:s16+$0x9860] =	vst v1;
	s16 =	sor.u32 s20, s19  }
0x88: {  	[tilespmem:s16+$0x9870] =	vst v1  }
0x89: {  	[tilespmem:s16+$0x9400] =	vst v1  }
0x8a: {  	[tilespmem:s16+$0x9410] =	vst v1  }
0x8b: {  	[tilespmem:s16+$0x9420] =	vst v1  }
0x8c: {  	[tilespmem:s16+$0x9430] =	vst v1  }
0x8d: {  	[tilespmem:s16+$0x9440] =	vst v1  }
0x8e: {  	[tilespmem:s16+$0x9450] =	vst v1  }
0x8f: {  	[tilespmem:s16+$0x9460] =	vst v1  }
0x90: {  	[tilespmem:s16+$0x9470] =	vst v1  }
0x91: {  	[tilespmem:s16+$0x9800] =	vst v1  }
.Ltmp2:
0x92: {  	[tilespmem:s16+$0x9810] =	vst v1;
	(pc) =	sbr.rel @p0 .LBB2_6-.Ltmp2, $4  }
0x93: {  	[tilespmem:s16+$0x9820] =	vst v1  }
0x94: {  	[tilespmem:s16+$0x9830] =	vst v1  }
0x95: {  	s17 =	sadd.s32 $0x100, s17;
	[tilespmem:s16+$0x9840] =	vst v1  }
0x96: {  	s20 =	sand.u32 $0x380, s18;
	s18 =	sadd.s32 $0x80, s18;
	s19 =	sand.u32 $0x7800, s17;
	[tilespmem:s16+$0x9850] =	vst v1  }
0x97: {  	s17 =	sor.u32 s20, s19;
	[tilespmem:s16+$0x9860] =	vst v1  }
0x98: {  	[tilespmem:s17+$0x9870] =	vst v1  }
0x99: {  	[tilespmem:s17+$0x9400] =	vst v1  }
0x9a: {  	[tilespmem:s17+$0x9410] =	vst v1  }
0x9b: {  	[tilespmem:s17+$0x9420] =	vst v1  }
0x9c: {  	[tilespmem:s17+$0x9430] =	vst v1  }
0x9d: {  	[tilespmem:s17+$0x9440] =	vst v1  }
0x9e: {  	[tilespmem:s17+$0x9450] =	vst v1  }
0x9f: {  	[tilespmem:s17+$0x9460] =	vst v1  }
0xa0: {  	[tilespmem:s17+$0x9470] =	vst v1  }
0xa1: {  	[tilespmem:s17+$0x9800] =	vst v1  }
0xa2: {  	[tilespmem:s17+$0x9810] =	vst v1  }
0xa3: {  	[tilespmem:s17+$0x9820] =	vst v1  }
0xa4: {  	[tilespmem:s17+$0x9830] =	vst v1  }
0xa5: {  	[tilespmem:s17+$0x9840] =	vst v1  }
0xa6: {  	[tilespmem:s17+$0x9850] =	vst v1  }
0xa7: {  	s31 =	simm.s32 $0x80;
	[tilespmem:s17+$0x9860] =	vst v1  }
0xa8: {  	v5 =	vld [tilespmem:s31+$0x0];
	_ =	sdelay $0x4  }
0xa9: {  	v5 =	vmax.f32 v5, $9.999999970e-07  }
0xaa: {  	v5 =	vmin.f32 v5, $9.999989860e-01  }
0xab: {  	v5 =	vmul.f32 $2.560000000e+02, v5;
	_ =	sdelay $0x1  }
0xac: {  	v5 =	vtrunc.f32 v5  }
0xad: {  	v5 =	vcvt.f32.s32 v5  }
0xae: {  	v6 =	vmov s15  }
0xaf: {  	v6 =	vshll.u32 v6, $0x8;
	vm0 =	vgt.s32 v5, $0x0  }
0xb0: {  	v7 =	vor.u32 v2, v6;
	v5 =	vnsel vm0, $0x0, v5  }
0xb1: {  	v6 =	vand.u32 $0x6000, v6;
	v7 =	vand.u32 $0x1800, v7;
	v5 =	vmin.u32 v5, $0xFF  }
0xb2: {  	v6 =	vor.u32 v7, v6;
	v8 =	vand.u32 $0x7F, v5;
	v7 =	vshll.u32 v5, $0x3  }
0xb3: {  	v7 =	vand.u32 $0x400, v7;
	v6 =	vor.u32 v8, v6  }
0xb4: {  	v6 =	vor.u32 v7, v6  }
0xb5: {  	v6 =	vor.u32 v4, v6;
	_ =	sdelay $0x2  }
0xb6: {  	s15 =	simm.s32 $0x11480  }
0xb7: {  	[tilespmem:s15+$0x0] =	vst v5  }
0xb8: {  	s17 =	simm.s32 $0x90;
	[tilespmem:v6+s10+$0x0] =	vst.idx.msk $0xffff, v3  }
0xb9: {  	s16 =	simm.s32 $0x10;
	s18 =	simm.s32 $0x20;
	v5 =	vld [tilespmem:s17+$0x0]  }
.LBB2_8:
0xba: {  	p0 =	sne.s32 s18, $0x70;
	_ =	sdelay $0x3  }
0xbb: {  	v5 =	vmax.f32 v5, $9.999999970e-07  }
0xbc: {  	v5 =	vmin.f32 v5, $9.999989860e-01  }
0xbd: {  	v5 =	vmul.f32 $2.560000000e+02, v5;
	_ =	sdelay $0x1  }
0xbe: {  	v5 =	vtrunc.f32 v5  }
0xbf: {  	v5 =	vcvt.f32.s32 v5  }
0xc0: {  	v6 =	vmov s16;
	s16 =	smov.u32 s18  }
0xc1: {  	v6 =	vshll.u32 v6, $0x8;
	vm0 =	vgt.s32 v5, $0x0  }
0xc2: {  	v7 =	vor.u32 v2, v6;
	v5 =	vnsel vm0, $0x0, v5  }
0xc3: {  	s15 =	sadd.s32 $0x10, s15;
	v6 =	vand.u32 $0x6000, v6;
	v7 =	vand.u32 $0x1800, v7;
	v5 =	vmin.u32 v5, $0xFF  }
0xc4: {  	v6 =	vor.u32 v7, v6;
	[tilespmem:s15+$0x0] =	vst v5;
	v8 =	vand.u32 $0x7F, v5;
	v5 =	vshll.u32 v5, $0x3  }
0xc5: {  	v5 =	vand.u32 $0x400, v5;
	v6 =	vor.u32 v8, v6  }
0xc6: {  	v5 =	vor.u32 v5, v6  }
0xc7: {  	v5 =	vor.u32 v4, v5;
	_ =	sdelay $0x1  }
.Ltmp3:
0xc8: {  	(pc) =	sbr.rel @p0 .LBB2_8-.Ltmp3, $3  }
0xc9: {  	_ =	sdelay $0x1  }
0xca: {  	s17 =	sadd.s32 $0x10, s17;
	[tilespmem:v5+s10+$0x0] =	vst.idx.msk $0xffff, v3  }
0xcb: {  	s18 =	sadd.s32 $0x10, s18;
	v5 =	vld [tilespmem:s17+$0x0]  }
0xcc: {  	_ =	sdelay $0x3  }
0xcd: {  	v5 =	vmax.f32 v5, $9.999999970e-07  }
0xce: {  	v5 =	vmin.f32 v5, $9.999989860e-01  }
0xcf: {  	v5 =	vmul.f32 $2.560000000e+02, v5;
	_ =	sdelay $0x1  }
0xd0: {  	v5 =	vtrunc.f32 v5  }
0xd1: {  	v5 =	vcvt.f32.s32 v5  }
0xd2: {  	v6 =	vmov s16  }
0xd3: {  	v6 =	vshll.u32 v6, $0x8;
	vm0 =	vgt.s32 v5, $0x0  }
0xd4: {  	v7 =	vor.u32 v2, v6;
	v5 =	vnsel vm0, $0x0, v5  }
0xd5: {  	v6 =	vand.u32 $0x6000, v6;
	v7 =	vand.u32 $0x1800, v7;
	v5 =	vmin.u32 v5, $0xFF  }
0xd6: {  	v6 =	vor.u32 v7, v6;
	v8 =	vand.u32 $0x7F, v5;
	v7 =	vshll.u32 v5, $0x3  }
0xd7: {  	v7 =	vand.u32 $0x400, v7;
	v6 =	vor.u32 v8, v6  }
0xd8: {  	v6 =	vor.u32 v7, v6  }
0xd9: {  	v6 =	vor.u32 v4, v6;
	_ =	sdelay $0x2  }
0xda: {  	s15 =	sadd.s32 $0x10, s15  }
0xdb: {  	[tilespmem:s15+$0x0] =	vst v5  }
0xdc: {  	s16 =	simm.s32 $0x100;
	s17 =	simm.s32 $0x180;
	s15 =	simm.s32 $0x1;
	[tilespmem:v6+s10+$0x0] =	vst.idx.msk $0xffff, v3  }
0xdd: {  	[hbm4b:s7+s3] =	stream.linear.scatter [tilespmem:s11], [sflag:$0x3], $0x8000, $0x38;
	[tilespmem:$0x11500] =	vst v63  }
.LBB2_10:
0xde: {  	_ =	swait.ge [sflag:s12], $0x8000  }
0xdf: {  	[sflag:s12] =	ssyncset.done $0x0  }
0xe0: {  	s19 =	simm.s32 $0x0;
	s18 =	simm.s32 $0x11400;
	[sflag:s12] =	ssyncadd.s32 $0xFFFF8000  }
0xe1: {  	s20 =	simm.s32 $0x10;
	s21 =	simm.s32 $0x0;
	s22 =	simm.s32 $0x11400;
	v5 =	vld [tilespmem:s18+$0x0]  }
.LBB2_11:
0xe2: {  	p0 =	sne.s32 s20, $0x70;
	v6 =	vmov s21;
	s21 =	smov.u32 s20  }
0xe3: {  	v6 =	vshll.u32 v6, $0x8  }
0xe4: {  	v7 =	vor.u32 v2, v6  }
0xe5: {  	v6 =	vand.u32 $0x6000, v6;
	v7 =	vand.u32 $0x1800, v7  }
0xe6: {  	v8 =	vand.u32 $0x7F, v5;
	v5 =	vshll.u32 v5, $0x3;
	v6 =	vor.u32 v7, v6  }
0xe7: {  	v5 =	vand.u32 $0xFFFFFC00, v5;
	v6 =	vor.u32 v8, v6  }
0xe8: {  	v5 =	vadd.s32 v6, v5  }
0xe9: {  	v5 =	vor.u32 v0, v5;
	_ =	sdelay $0x1  }
.Ltmp4:
0xea: {  	(pc) =	sbr.rel @p0 .LBB2_11-.Ltmp4, $3  }
0xeb: {  	_ =	sdelay $0x1  }
0xec: {  	s22 =	sadd.s32 $0x10, s22;
	[tilespmem:v5+s10+$0x0] =	vst.idx.msk $0xffff, v1  }
0xed: {  	s20 =	sadd.s32 $0x10, s20;
	v5 =	vld [tilespmem:s22+$0x0]  }
0xee: {  	v6 =	vmov s21  }
0xef: {  	v6 =	vshll.u32 v6, $0x8  }
0xf0: {  	v7 =	vor.u32 v2, v6  }
0xf1: {  	v6 =	vand.u32 $0x6000, v6;
	v7 =	vand.u32 $0x1800, v7  }
0xf2: {  	v8 =	vand.u32 $0x7F, v5;
	v5 =	vshll.u32 v5, $0x3;
	v6 =	vor.u32 v7, v6  }
0xf3: {  	v5 =	vand.u32 $0xFFFFFC00, v5;
	v6 =	vor.u32 v8, v6  }
0xf4: {  	v5 =	vadd.s32 v6, v5  }
0xf5: {  	v5 =	vor.u32 v0, v5;
	_ =	sdelay $0x4  }
0xf6: {  	[tilespmem:v5+s10+$0x0] =	vst.idx.msk $0xffff, v1  }
0xf7: {  	v5 =	vld [tilespmem:s16+$0x0];
	_ =	sdelay $0x4  }
0xf8: {  	v5 =	vmax.f32 v5, $9.999999970e-07  }
0xf9: {  	v5 =	vmin.f32 v5, $9.999989860e-01  }
0xfa: {  	v5 =	vmul.f32 $2.560000000e+02, v5;
	_ =	sdelay $0x1  }
0xfb: {  	v5 =	vtrunc.f32 v5  }
0xfc: {  	v5 =	vcvt.f32.s32 v5  }
0xfd: {  	v6 =	vmov s19  }
0xfe: {  	v6 =	vshll.u32 v6, $0x8;
	vm0 =	vgt.s32 v5, $0x0  }
0xff: {  	v7 =	vor.u32 v2, v6;
	v5 =	vnsel vm0, $0x0, v5  }
0x100: {  	v6 =	vand.u32 $0x6000, v6;
	v7 =	vand.u32 $0x1800, v7;
	v5 =	vmin.u32 v5, $0xFF  }
0x101: {  	v6 =	vor.u32 v7, v6;
	v63 =	vand.u32 $0x7F, v5;
	v7 =	vshll.u32 v5, $0x3  }
0x102: {  	v7 =	vand.u32 $0x400, v7;
	v6 =	vor.u32 v63, v6  }
0x103: {  	v6 =	vor.u32 v7, v6  }
0x104: {  	v6 =	vor.u32 v0, v6;
	_ =	sdelay $0x3  }
0x105: {  	[tilespmem:s18+$0x0] =	vst v5  }
0x106: {  	s20 =	sadd.s32 $0x10, s16;
	[tilespmem:v6+s10+$0x0] =	vst.idx.msk $0xffff, v3  }
0x107: {  	s21 =	simm.s32 $0x20;
	s19 =	simm.s32 $0x10;
	v5 =	vld [tilespmem:s20+$0x0]  }
.LBB2_13:
0x108: {  	p0 =	sne.s32 s21, $0x70;
	_ =	sdelay $0x3  }
0x109: {  	v5 =	vmax.f32 v5, $9.999999970e-07  }
0x10a: {  	v5 =	vmin.f32 v5, $9.999989860e-01  }
0x10b: {  	v5 =	vmul.f32 $2.560000000e+02, v5;
	_ =	sdelay $0x1  }
0x10c: {  	v5 =	vtrunc.f32 v5  }
0x10d: {  	v5 =	vcvt.f32.s32 v5  }
0x10e: {  	v6 =	vmov s19;
	s19 =	smov.u32 s21  }
0x10f: {  	v6 =	vshll.u32 v6, $0x8;
	vm0 =	vgt.s32 v5, $0x0  }
0x110: {  	v7 =	vor.u32 v2, v6;
	v5 =	vnsel vm0, $0x0, v5  }
0x111: {  	s18 =	sadd.s32 $0x10, s18;
	v6 =	vand.u32 $0x6000, v6;
	v7 =	vand.u32 $0x1800, v7;
	v5 =	vmin.u32 v5, $0xFF  }
0x112: {  	v6 =	vor.u32 v7, v6;
	[tilespmem:s18+$0x0] =	vst v5;
	v8 =	vand.u32 $0x7F, v5;
	v5 =	vshll.u32 v5, $0x3  }
0x113: {  	v5 =	vand.u32 $0x400, v5;
	v6 =	vor.u32 v8, v6  }
0x114: {  	v5 =	vor.u32 v5, v6  }
0x115: {  	v5 =	vor.u32 v0, v5;
	_ =	sdelay $0x1  }
.Ltmp5:
0x116: {  	(pc) =	sbr.rel @p0 .LBB2_13-.Ltmp5, $3  }
0x117: {  	_ =	sdelay $0x1  }
0x118: {  	s20 =	sadd.s32 $0x10, s20;
	[tilespmem:v5+s10+$0x0] =	vst.idx.msk $0xffff, v3  }
0x119: {  	s21 =	sadd.s32 $0x10, s21;
	v5 =	vld [tilespmem:s20+$0x0]  }
0x11a: {  	_ =	sdelay $0x3  }
0x11b: {  	v5 =	vmax.f32 v5, $9.999999970e-07  }
0x11c: {  	v5 =	vmin.f32 v5, $9.999989860e-01  }
0x11d: {  	v5 =	vmul.f32 $2.560000000e+02, v5;
	_ =	sdelay $0x1  }
0x11e: {  	v5 =	vtrunc.f32 v5  }
0x11f: {  	v5 =	vcvt.f32.s32 v5  }
0x120: {  	v6 =	vmov s19  }
0x121: {  	v6 =	vshll.u32 v6, $0x8;
	vm0 =	vgt.s32 v5, $0x0  }
0x122: {  	s19 =	sshll.u32 s15, $0x1;
	v7 =	vor.u32 v2, v6;
	v5 =	vnsel vm0, $0x0, v5  }
0x123: {  	s20 =	smulhi.u32 $0x66666667, s19;
	v6 =	vand.u32 $0x6000, v6;
	v7 =	vand.u32 $0x1800, v7;
	v5 =	vmin.u32 v5, $0xFF  }
0x124: {  	v6 =	vor.u32 v7, v6;
	v8 =	vand.u32 $0x7F, v5;
	v7 =	vshll.u32 v5, $0x3  }
0x125: {  	s20 =	sshrl.u32 s20, $0x1;
	v7 =	vand.u32 $0x400, v7;
	v6 =	vor.u32 v8, v6  }
0x126: {  	s21 =	smul.u32 $0x5, s20;
	v6 =	vor.u32 v7, v6  }
0x127: {  	s20 =	sadd.s32 s6, s20;
	v6 =	vor.u32 v0, v6  }
0x128: {  	s20 =	smul.u32 $0x28000, s20;
	s21 =	ssub.s32 s19, s21  }
0x129: {  	s21 =	sshll.u32 s21, $0xF  }
0x12a: {  	s18 =	sadd.s32 $0x10, s18;
	s20 =	sadd.s32 s21, s20  }
0x12b: {  	s31 =	sshrl.u32 s20, $0x3;
	[tilespmem:s18+$0x0] =	vst v5  }
0x12c: {  	s20 =	sadd.s32 s2, s31;
	s18 =	simm.s32 $0x0;
	[tilespmem:v6+s10+$0x0] =	vst.idx.msk $0xffff, v3  }
0x12d: {  	[hbm4b:s20+s18] =	stream.linear.scatter [tilespmem:s10], [sflag:$0x2], $0x8000, $0x38;
	[tilespmem:$0x11500] =	vst v63  }
0x12e: {  	_ =	swait.ge [sflag:s13], $0x8000  }
0x12f: {  	[sflag:s13] =	ssyncset.done $0x0  }
0x130: {  	s20 =	simm.s32 $0x11480;
	[sflag:s13] =	ssyncadd.s32 $0xFFFF8000  }
0x131: {  	s21 =	simm.s32 $0x10;
	v5 =	vld [tilespmem:s20+$0x0]  }
.LBB2_15:
0x132: {  	p0 =	seq.s32 s21, $0x70;
	v6 =	vmov s18;
	s18 =	smov.u32 s21  }
0x133: {  	v6 =	vshll.u32 v6, $0x8  }
0x134: {  	v7 =	vor.u32 v2, v6  }
0x135: {  	v6 =	vand.u32 $0x6000, v6;
	v7 =	vand.u32 $0x1800, v7  }
0x136: {  	v8 =	vand.u32 $0x7F, v5;
	v5 =	vshll.u32 v5, $0x3;
	v6 =	vor.u32 v6, v7  }
0x137: {  	v5 =	vand.u32 $0xFFFFFC00, v5;
	v6 =	vor.u32 v8, v6  }
0x138: {  	v5 =	vadd.s32 v6, v5  }
0x139: {  	v5 =	vadd.s32 v4, v5;
	_ =	sdelay $0x1  }
.Ltmp6:
0x13a: {  	(pc) =	sbr.rel @!p0 .LBB2_15-.Ltmp6, $3  }
0x13b: {  	_ =	sdelay $0x1  }
0x13c: {  	s20 =	sadd.s32 $0x10, s20;
	[tilespmem:v5+s10+$0x0] =	vst.idx.msk $0xffff, v1  }
0x13d: {  	s21 =	sadd.s32 $0x10, s21;
	v5 =	vld [tilespmem:s20+$0x0]  }
0x13e: {  	v6 =	vmov s18  }
0x13f: {  	v6 =	vshll.u32 v6, $0x8  }
0x140: {  	v7 =	vor.u32 v2, v6  }
0x141: {  	v6 =	vand.u32 $0x6000, v6;
	v7 =	vand.u32 $0x1800, v7  }
0x142: {  	v8 =	vand.u32 $0x7F, v5;
	v5 =	vshll.u32 v5, $0x3;
	v6 =	vor.u32 v6, v7  }
0x143: {  	v5 =	vand.u32 $0xFFFFFC00, v5;
	v6 =	vor.u32 v8, v6  }
0x144: {  	v5 =	vadd.s32 v6, v5  }
0x145: {  	v5 =	vadd.s32 v4, v5;
	_ =	sdelay $0x4  }
0x146: {  	[tilespmem:v5+s10+$0x0] =	vst.idx.msk $0xffff, v1  }
0x147: {  	v5 =	vld [tilespmem:s17+$0x0];
	_ =	sdelay $0x4  }
0x148: {  	v5 =	vmax.f32 v5, $9.999999970e-07  }
0x149: {  	v5 =	vmin.f32 v5, $9.999989860e-01  }
0x14a: {  	v5 =	vmul.f32 $2.560000000e+02, v5;
	_ =	sdelay $0x1  }
0x14b: {  	v5 =	vtrunc.f32 v5  }
0x14c: {  	s20 =	simm.s32 $0x0;
	v5 =	vcvt.f32.s32 v5  }
0x14d: {  	v6 =	vmov s20  }
0x14e: {  	v6 =	vshll.u32 v6, $0x8;
	vm0 =	vgt.s32 v5, $0x0  }
0x14f: {  	v7 =	vor.u32 v2, v6;
	v5 =	vnsel vm0, $0x0, v5  }
0x150: {  	v6 =	vand.u32 $0x6000, v6;
	v7 =	vand.u32 $0x1800, v7;
	v5 =	vmin.u32 v5, $0xFF  }
0x151: {  	v6 =	vor.u32 v7, v6;
	v63 =	vand.u32 $0x7F, v5;
	v7 =	vshll.u32 v5, $0x3  }
0x152: {  	v7 =	vand.u32 $0x400, v7;
	v6 =	vor.u32 v63, v6  }
0x153: {  	v6 =	vor.u32 v7, v6  }
0x154: {  	v6 =	vor.u32 v4, v6;
	_ =	sdelay $0x2  }
0x155: {  	s18 =	simm.s32 $0x11480  }
0x156: {  	[tilespmem:s18+$0x0] =	vst v5  }
0x157: {  	s21 =	sadd.s32 $0x10, s17;
	[tilespmem:v6+s10+$0x0] =	vst.idx.msk $0xffff, v3  }
0x158: {  	s19 =	sor.u32 $0x1, s19;
	s22 =	simm.s32 $0x20;
	s20 =	simm.s32 $0x10;
	v5 =	vld [tilespmem:s21+$0x0]  }
.LBB2_17:
0x159: {  	p0 =	sne.s32 s22, $0x70;
	_ =	sdelay $0x3  }
0x15a: {  	v5 =	vmax.f32 v5, $9.999999970e-07  }
0x15b: {  	v5 =	vmin.f32 v5, $9.999989860e-01  }
0x15c: {  	v5 =	vmul.f32 $2.560000000e+02, v5;
	_ =	sdelay $0x1  }
0x15d: {  	v5 =	vtrunc.f32 v5  }
0x15e: {  	v5 =	vcvt.f32.s32 v5  }
0x15f: {  	v6 =	vmov s20;
	s20 =	smov.u32 s22  }
0x160: {  	v6 =	vshll.u32 v6, $0x8;
	vm0 =	vgt.s32 v5, $0x0  }
0x161: {  	v7 =	vor.u32 v2, v6;
	v5 =	vnsel vm0, $0x0, v5  }
0x162: {  	s18 =	sadd.s32 $0x10, s18;
	v6 =	vand.u32 $0x6000, v6;
	v7 =	vand.u32 $0x1800, v7;
	v5 =	vmin.u32 v5, $0xFF  }
0x163: {  	v6 =	vor.u32 v7, v6;
	[tilespmem:s18+$0x0] =	vst v5;
	v8 =	vand.u32 $0x7F, v5;
	v5 =	vshll.u32 v5, $0x3  }
0x164: {  	v5 =	vand.u32 $0x400, v5;
	v6 =	vor.u32 v8, v6  }
0x165: {  	v5 =	vor.u32 v5, v6  }
0x166: {  	v5 =	vor.u32 v4, v5;
	_ =	sdelay $0x1  }
.Ltmp7:
0x167: {  	(pc) =	sbr.rel @p0 .LBB2_17-.Ltmp7, $3  }
0x168: {  	_ =	sdelay $0x1  }
0x169: {  	s21 =	sadd.s32 $0x10, s21;
	[tilespmem:v5+s10+$0x0] =	vst.idx.msk $0xffff, v3  }
0x16a: {  	s22 =	sadd.s32 $0x10, s22;
	v5 =	vld [tilespmem:s21+$0x0]  }
0x16b: {  	_ =	sdelay $0x3  }
0x16c: {  	v5 =	vmax.f32 v5, $9.999999970e-07  }
0x16d: {  	v5 =	vmin.f32 v5, $9.999989860e-01  }
0x16e: {  	v5 =	vmul.f32 $2.560000000e+02, v5;
	_ =	sdelay $0x1  }
0x16f: {  	v5 =	vtrunc.f32 v5  }
0x170: {  	v5 =	vcvt.f32.s32 v5  }
0x171: {  	v6 =	vmov s20  }
0x172: {  	v6 =	vshll.u32 v6, $0x8;
	vm0 =	vgt.s32 v5, $0x0  }
0x173: {  	v7 =	vor.u32 v2, v6;
	v5 =	vnsel vm0, $0x0, v5  }
0x174: {  	s29 =	smulhi.u32 $0x66666667, s19;
	v6 =	vand.u32 $0x6000, v6;
	v7 =	vand.u32 $0x1800, v7;
	v5 =	vmin.u32 v5, $0xFF  }
0x175: {  	v6 =	vor.u32 v7, v6;
	v8 =	vand.u32 $0x7F, v5;
	v7 =	vshll.u32 v5, $0x3  }
0x176: {  	s20 =	sshrl.u32 s29, $0x1;
	v7 =	vand.u32 $0x400, v7;
	v6 =	vor.u32 v8, v6  }
0x177: {  	s21 =	smul.u32 $0x5, s20;
	v6 =	vor.u32 v7, v6  }
0x178: {  	s15 =	sadd.s32 $0x1, s15;
	s20 =	sadd.s32 s6, s20;
	v6 =	vor.u32 v4, v6  }
0x179: {  	p0 =	sne.s32 s15, $0x14;
	s20 =	smul.u32 $0x28000, s20;
	s30 =	ssub.s32 s19, s21  }
.Ltmp8:
0x17a: {  	s19 =	sshll.u32 s30, $0xF;
	(pc) =	sbr.rel @p0 .LBB2_10-.Ltmp8, $4  }
0x17b: {  	s18 =	sadd.s32 $0x10, s18;
	s19 =	sadd.s32 s19, s20  }
0x17c: {  	s31 =	sshrl.u32 s19, $0x3;
	[tilespmem:s18+$0x0] =	vst v5  }
0x17d: {  	s16 =	sadd.s32 $0x100, s16;
	s17 =	sadd.s32 $0x100, s17;
	s18 =	sadd.s32 s2, s31;
	[tilespmem:v6+s10+$0x0] =	vst.idx.msk $0xffff, v3  }
0x17e: {  	[hbm4b:s18+s3] =	stream.linear.scatter [tilespmem:s11], [sflag:$0x3], $0x8000, $0x38;
	[tilespmem:$0x11500] =	vst v63  }
0x17f: {  	s14 =	sadd.s32 $0x1, s14  }
0x180: {  	_ =	swait.ge [sflag:s12], $0x8000;
	p0 =	sne.s32 s14, s8  }
.Ltmp9:
0x181: {  	[sflag:s12] =	ssyncset.done $0x0;
	(pc) =	sbr.rel @p0 .LBB2_1-.Ltmp9, $4  }
0x182: {  	[sflag:s12] =	ssyncadd.s32 $0xFFFF8000  }
0x183: {  	_ =	swait.ge [sflag:s13], $0x8000  }
0x184: {  	[sflag:s13] =	ssyncset.done $0x0  }
0x185: {  	[sflag:s13] =	ssyncadd.s32 $0xFFFF8000  }
0x186: {  	_ =	sfence.sel $0x180000  }
0x187: {  	[bflag:$0x0] =	sbarrier.arrive $0xFFFF  }
0x188: {  	p0 =	sne.s32 s0, $0x0;
	_ =	strace $0x90000047  }
0x189: {  	s0 =	sadd.s32 @!p0 $0x100000, s1;
	[bflag:$0x2] =	sbarrier.arrive $0xFFFF  }
0x18a: {  	[sflag:s0] =	ssyncadd.tile.s32 @!p0 $0x1;
	_ =	shalt  }
.Lfunc_end2:
_tile_overlayer_lowered:
.L_overlay_start_2:
0x18b: {  	(tag) =	ssettag $0x2  }
0x18c: {  	s0 =	rddreg [dreg:$0x0];
	s2 =	stileid.u32  }
0x18d: {  	s1 =	rddreg [dreg:$0x1];
	p0 =	sne.s32 s2, $0x0  }
0x18e: {  	s3 =	rddreg [dreg:$0x2];
	[bflag:$0x3] =	sbarrier.arrive $0xFFFF;
	s2 =	simm.s32 @!p0 $0x1C04  }
0x18f: {  	[timem:s3], [sflag:s2] =	dma.local @!p0 [hbm:s0], s1  }
0x190: {  	s0 =	simm.s32 @!p0 $0x4  }
0x191: {  	_ =	swait.ge @!p0 [sflag:s0], s1  }
0x192: {  	s1 =	ssub.s32 @!p0 $0x0, s1;
	[sflag:s0] =	ssyncset.done @!p0 $0x0  }
0x193: {  	[sflag:s0] =	ssyncadd.s32 @!p0 s1  }
0x194: {  	[bflag:$0x3] =	sbarrier.arrive $0xFFFF  }
0x195: {  	_ =	shalt  }

</sc_bundles>
